<compile_context>
chip_gen: v7x
topology: tpu7x:2x2x1
jax: 0.10.2.dev20260603
libtpu: 0.0.44.dev20260713+nightly
codegen_flags: <defaults>
</compile_context>

<pallas_src>
import jax
import jax.numpy as jnp
from jax import lax
from jax.experimental import pallas as pl
from jax.experimental.pallas import tpu as pltpu
from jax.experimental.pallas import tpu_sc as plsc

_NC = 2
_NS = 16
_NW = _NC * _NS
_LANES = 16
_CHUNK = 8192


def _body(seq_hbm, tbl_hbm, out_hbm, tbl_v,
          idx0, idx1, rows0, rows1, rows2, si0, si1, so0, so1, so2):
    wid = lax.axis_index("s") * _NC + lax.axis_index("c")
    per_w = seq_hbm.shape[0] // _NW
    base = wid * per_w
    n_chunks = per_w // _CHUNK
    pltpu.sync_copy(tbl_hbm, tbl_v)
    rclamp = jnp.minimum(lax.iota(jnp.int32, _LANES), 4)
    cols = [plsc.load_gather(tbl_v, [rclamp, jnp.full((_LANES,), j, jnp.int32)])
            for j in range(4)]
    idxb, rowsb = [idx0, idx1], [rows0, rows1, rows2]
    sin, sout = [si0, si1], [so0, so1, so2]
    in_descs = [None] * n_chunks
    out_descs = [[] for _ in range(n_chunks)]
    in_descs[0] = pltpu.async_copy(
        seq_hbm.at[pl.ds(base, _CHUNK)], idx0, si0)
    for c in range(n_chunks):
        if c + 1 < n_chunks:
            in_descs[c + 1] = pltpu.async_copy(
                seq_hbm.at[pl.ds(base + (c + 1) * _CHUNK, _CHUNK)],
                idxb[(c + 1) % 2], sin[(c + 1) % 2])
        in_descs[c].wait()
        if c >= 3:
            for d in out_descs[c - 3]:
                d.wait()
        iv, rv = idxb[c % 2], rowsb[c % 3]

        @plsc.parallel_loop(0, _CHUNK, step=_LANES, unroll=16)
        def _(off):
            idx = iv[pl.ds(off, _LANES)]
            for j in range(4):
                rv[j, pl.ds(off, _LANES)] = cols[j].at[idx].get(
                    mode="promise_in_bounds")

        cb = base + c * _CHUNK
        out_descs[c].append(pltpu.async_copy(
            rv, out_hbm.at[:, pl.ds(cb, _CHUNK)], sout[c % 3]))
    for c in range(max(0, n_chunks - 3), n_chunks):
        for d in out_descs[c]:
            d.wait()


def kernel(seq, table):
    L = seq.shape[0]
    seq = seq.astype(jnp.int32)
    tbl = table.astype(jnp.float32)
    mesh = plsc.VectorSubcoreMesh(core_axis_name="c", subcore_axis_name="s")
    f = pl.kernel(
        _body,
        out_type=jax.ShapeDtypeStruct((4, L), jnp.float32),
        mesh=mesh,
        compiler_params=pltpu.CompilerParams(needs_layout_passes=False),
        scratch_types=[
            pltpu.VMEM((5, 4), jnp.float32),
            pltpu.VMEM((_CHUNK,), jnp.int32),
            pltpu.VMEM((_CHUNK,), jnp.int32),
            pltpu.VMEM((4, _CHUNK), jnp.float32),
            pltpu.VMEM((4, _CHUNK), jnp.float32),
            pltpu.VMEM((4, _CHUNK), jnp.float32),
            pltpu.SemaphoreType.DMA,
            pltpu.SemaphoreType.DMA,
            pltpu.SemaphoreType.DMA,
            pltpu.SemaphoreType.DMA,
            pltpu.SemaphoreType.DMA,
        ],
    )
    return f(seq, tbl)

# --- scband reference (transcript-rebuilt; emitter-appended) ---
"""Pipeline reference for scband-seq2-tensor-21646635172180 (READ-ONLY COPY).

The authoritative reference and input builder live on the scoring server;
editing this copy changes nothing except your own understanding.
"""

import jax, jax.numpy as jnp
import numpy as np

L = 1048576

def _build_table():
    # Row i = one-hot for base code i (A=0,G=1,C=2,T=3); row 4 = 'N' -> uniform 0.25.
    # This is mathematically identical to the torch module's
    # one_hot(...,5)[:, :4].float() with code[mask]=0.25 path.
    t = np.zeros((5, 4), dtype=np.float32)
    t[:4, :4] = np.eye(4, dtype=np.float32)
    t[4, :] = 0.25
    return jnp.asarray(t)

def setup_inputs(seed: int = 0) -> dict:
    key = jax.random.key(seed)
    seq = jax.random.randint(key, (L,), 0, 5, dtype=jnp.int64)
    table = _build_table()
    return {"seq": seq, "table": table}

def reference(seq, table):
    # Equivalent to: code = one_hot(seq, 5); mask = code[:,4]==1;
    # code = code[:, :4].float(); code[mask] = 0.25; return code.T
    code = jnp.take(table, seq, axis=0)  # [L, 4] gather (embedding lookup)
    return code.T  # [4, L]

if __name__ == "__main__":
    import jax
    _d = setup_inputs()
    print(jax.jit(kernel)(*tuple(_d.values())))

</pallas_src>

<mosaic_0001>
#map = affine_map<(d0, d1) -> (0)>
#map1 = affine_map<(d0, d1) -> (0, 0)>
module attributes {stable_mosaic.version = 14 : i64} {
  func.func @_body(%arg0: i32, %arg1: i32, %arg2: memref<1048576xi32, #tpu.memory_space<hbm>>, %arg3: memref<5x4xf32, #tpu.memory_space<hbm>>, %arg4: memref<4x1048576xf32, #tpu.memory_space<hbm>>, %arg5: memref<5x4xf32, #tpu.memory_space<vmem>>, %arg6: memref<8192xi32, #tpu.memory_space<vmem>>, %arg7: memref<8192xi32, #tpu.memory_space<vmem>>, %arg8: memref<4x8192xf32, #tpu.memory_space<vmem>>, %arg9: memref<4x8192xf32, #tpu.memory_space<vmem>>, %arg10: memref<4x8192xf32, #tpu.memory_space<vmem>>, %arg11: memref<!tpu.dma_semaphore, #tpu.memory_space<semaphore_mem>>, %arg12: memref<!tpu.dma_semaphore, #tpu.memory_space<semaphore_mem>>, %arg13: memref<!tpu.dma_semaphore, #tpu.memory_space<semaphore_mem>>, %arg14: memref<!tpu.dma_semaphore, #tpu.memory_space<semaphore_mem>>, %arg15: memref<!tpu.dma_semaphore, #tpu.memory_space<semaphore_mem>>) attributes {dimension_semantics = [#tpu.dimension_semantics<core_parallel>, #tpu.dimension_semantics<subcore_parallel>], iteration_bounds = array<i64: 2, 16>, scalar_prefetch = 0 : i64, scratch_operands = 11 : i64, tpu.core_type = #tpu.core_type<sc_vector_subcore>, window_params = [{transform_indices = #map}, {transform_indices = #map1}, {transform_indices = #map1}]} {
    %mul3A = arith.constant 2 : i32
    %mul3A_0 = arith.muli %arg1, %mul3A : i32
    %add3A = arith.addi %mul3A_0, %arg0 : i32
    %mul3A_1 = arith.constant 32768 : i32
    %mul3A_2 = arith.muli %add3A, %mul3A_1 : i32
    "tpu.region"() ({
      %run_scoped3A = tpu.sem_alloc : memref<!tpu.dma_semaphore, #tpu.memory_space<semaphore_mem>>
      tpu.enqueue_dma source(%arg3 : memref<5x4xf32, #tpu.memory_space<hbm>>) target(%arg5 : memref<5x4xf32, #tpu.memory_space<vmem>>) target_semaphore(%run_scoped3A : memref<!tpu.dma_semaphore, #tpu.memory_space<semaphore_mem>>)
      tpu.wait_dma2 semaphore(%run_scoped3A : memref<!tpu.dma_semaphore, #tpu.memory_space<semaphore_mem>>) src(%arg3 : memref<5x4xf32, #tpu.memory_space<hbm>>) dst(%arg5 : memref<5x4xf32, #tpu.memory_space<vmem>>)
      tpu.yield
    }) : () -> ()
    %iota3A = tpu.iota {dimensions = array<i32: 0>} : vector<16xi32>
    %min3A = arith.constant 4 : i32
    %min3A_3 = vector.broadcast %min3A : i32 to vector<16xi32>
    %min3A_4 = arith.minsi %iota3A, %min3A_3 : vector<16xi32>
    %broadcast_in_dim3A = arith.constant 0 : i32
    %broadcast_in_dim3A_5 = vector.broadcast %broadcast_in_dim3A : i32 to vector<16xi32>
    %gather3A = tpu.vector_load_idx %arg5[%min3A_4, %broadcast_in_dim3A_5] : memref<5x4xf32, #tpu.memory_space<vmem>>[vector<16xi32>, vector<16xi32>], vector<16xf32>,
    %broadcast_in_dim3A_6 = arith.constant 1 : i32
    %broadcast_in_dim3A_7 = vector.broadcast %broadcast_in_dim3A_6 : i32 to vector<16xi32>
    %gather3A_8 = tpu.vector_load_idx %arg5[%min3A_4, %broadcast_in_dim3A_7] : memref<5x4xf32, #tpu.memory_space<vmem>>[vector<16xi32>, vector<16xi32>], vector<16xf32>,
    %broadcast_in_dim3A_9 = arith.constant 2 : i32
    %broadcast_in_dim3A_10 = vector.broadcast %broadcast_in_dim3A_9 : i32 to vector<16xi32>
    %gather3A_11 = tpu.vector_load_idx %arg5[%min3A_4, %broadcast_in_dim3A_10] : memref<5x4xf32, #tpu.memory_space<vmem>>[vector<16xi32>, vector<16xi32>], vector<16xf32>,
    %broadcast_in_dim3A_12 = arith.constant 3 : i32
    %broadcast_in_dim3A_13 = vector.broadcast %broadcast_in_dim3A_12 : i32 to vector<16xi32>
    %gather3A_14 = tpu.vector_load_idx %arg5[%min3A_4, %broadcast_in_dim3A_13] : memref<5x4xf32, #tpu.memory_space<vmem>>[vector<16xi32>, vector<16xi32>], vector<16xf32>,
    %dma_start3A = tpu.memref_slice %arg2[%mul3A_2] : memref<1048576xi32, #tpu.memory_space<hbm>> -> memref<8192xi32, #tpu.memory_space<hbm>>
    %dma_start3A_15 = tpu.memref_slice %arg2[%mul3A_2] : memref<1048576xi32, #tpu.memory_space<hbm>> -> memref<8192xi32, #tpu.memory_space<hbm>>
    tpu.enqueue_dma source(%dma_start3A_15 : memref<8192xi32, #tpu.memory_space<hbm>>) target(%arg6 : memref<8192xi32, #tpu.memory_space<vmem>>) target_semaphore(%arg11 : memref<!tpu.dma_semaphore, #tpu.memory_space<semaphore_mem>>)
    %add3A_16 = arith.constant 8192 : i32
    %add3A_17 = arith.addi %mul3A_2, %add3A_16 : i32
    %dma_start3A_18 = tpu.memref_slice %arg2[%add3A_17] : memref<1048576xi32, #tpu.memory_space<hbm>> -> memref<8192xi32, #tpu.memory_space<hbm>>
    %dma_start3A_19 = tpu.memref_slice %arg2[%add3A_17] : memref<1048576xi32, #tpu.memory_space<hbm>> -> memref<8192xi32, #tpu.memory_space<hbm>>
    tpu.enqueue_dma source(%dma_start3A_19 : memref<8192xi32, #tpu.memory_space<hbm>>) target(%arg7 : memref<8192xi32, #tpu.memory_space<vmem>>) target_semaphore(%arg12 : memref<!tpu.dma_semaphore, #tpu.memory_space<semaphore_mem>>)
    %dma_wait3A = tpu.memref_slice %arg2[%mul3A_2] : memref<1048576xi32, #tpu.memory_space<hbm>> -> memref<8192xi32, #tpu.memory_space<hbm>>
    %dma_wait3A_20 = tpu.memref_slice %arg2[%mul3A_2] : memref<1048576xi32, #tpu.memory_space<hbm>> -> memref<8192xi32, #tpu.memory_space<hbm>>
    tpu.wait_dma2 semaphore(%arg11 : memref<!tpu.dma_semaphore, #tpu.memory_space<semaphore_mem>>) src(%dma_wait3A_20 : memref<8192xi32, #tpu.memory_space<hbm>>) dst(%arg6 : memref<8192xi32, #tpu.memory_space<vmem>>)
    %parallel_loop3A = arith.constant 0 : i32
    %parallel_loop3A_21 = arith.constant 8192 : i32
    %parallel_loop3A_22 = arith.constant 16 : i32
    scf.for %parallel_loop3A_86 = %parallel_loop3A to %parallel_loop3A_21 step %parallel_loop3A_22  : i32 {
      %parallel_loop3A_87 = arith.index_cast %parallel_loop3A_86 : i32 to index
      %parallel_loop3A_88 = tpu.vector_load %arg6[%parallel_loop3A_87] {strides = array<i32>} : memref<8192xi32, #tpu.memory_space<vmem>>, vector<16xi32>,
      %parallel_loop3A_89 = arith.constant 0 : i32
      %parallel_loop3A_90 = vector.broadcast %parallel_loop3A_89 : i32 to vector<16xi32>
      %parallel_loop3A_91 = arith.cmpi slt, %parallel_loop3A_88, %parallel_loop3A_90 : vector<16xi32>
      %parallel_loop3A_92 = arith.constant 16 : i32
      %parallel_loop3A_93 = vector.broadcast %parallel_loop3A_92 : i32 to vector<16xi32>
      %parallel_loop3A_94 = arith.addi %parallel_loop3A_88, %parallel_loop3A_93 : vector<16xi32>
      %parallel_loop3A_95 = arith.select %parallel_loop3A_91, %parallel_loop3A_94, %parallel_loop3A_88 : vector<16xi1>, vector<16xi32>
      %parallel_loop3A_96 = vector.shape_cast %parallel_loop3A_95 : vector<16xi32> to vector<16x1xi32>
      %parallel_loop3A_97 = vector.shape_cast %parallel_loop3A_96 : vector<16x1xi32> to vector<16xi32>
      %parallel_loop3A_98 = tpu.dynamic_gather %gather3A[%parallel_loop3A_97] in [0] : vector<16xf32>, vector<16xi32> -> vector<16xf32>
      %parallel_loop3A_99 = arith.constant 0 : i32
      %parallel_loop3A_100 = arith.index_cast %parallel_loop3A_99 : i32 to index
      %parallel_loop3A_101 = arith.index_cast %parallel_loop3A_86 : i32 to index
      %parallel_loop3A_102 = tpu.vector_load %arg8[%parallel_loop3A_100, %parallel_loop3A_101] {strides = array<i32>} : memref<4x8192xf32, #tpu.memory_space<vmem>>, vector<16xf32>,
      tpu.vector_store %arg8[%parallel_loop3A_100, %parallel_loop3A_101], %parallel_loop3A_98 {strides = array<i32>} : memref<4x8192xf32, #tpu.memory_space<vmem>>, vector<16xf32>,
      %parallel_loop3A_103 = arith.constant 0 : i32
      %parallel_loop3A_104 = vector.broadcast %parallel_loop3A_103 : i32 to vector<16xi32>
      %parallel_loop3A_105 = arith.cmpi slt, %parallel_loop3A_88, %parallel_loop3A_104 : vector<16xi32>
      %parallel_loop3A_106 = arith.constant 16 : i32
      %parallel_loop3A_107 = vector.broadcast %parallel_loop3A_106 : i32 to vector<16xi32>
      %parallel_loop3A_108 = arith.addi %parallel_loop3A_88, %parallel_loop3A_107 : vector<16xi32>
      %parallel_loop3A_109 = arith.select %parallel_loop3A_105, %parallel_loop3A_108, %parallel_loop3A_88 : vector<16xi1>, vector<16xi32>
      %parallel_loop3A_110 = vector.shape_cast %parallel_loop3A_109 : vector<16xi32> to vector<16x1xi32>
      %parallel_loop3A_111 = vector.shape_cast %parallel_loop3A_110 : vector<16x1xi32> to vector<16xi32>
      %parallel_loop3A_112 = tpu.dynamic_gather %gather3A_8[%parallel_loop3A_111] in [0] : vector<16xf32>, vector<16xi32> -> vector<16xf32>
      %parallel_loop3A_113 = arith.constant 1 : i32
      %parallel_loop3A_114 = arith.index_cast %parallel_loop3A_113 : i32 to index
      %parallel_loop3A_115 = arith.index_cast %parallel_loop3A_86 : i32 to index
      %parallel_loop3A_116 = tpu.vector_load %arg8[%parallel_loop3A_114, %parallel_loop3A_115] {strides = array<i32>} : memref<4x8192xf32, #tpu.memory_space<vmem>>, vector<16xf32>,
      tpu.vector_store %arg8[%parallel_loop3A_114, %parallel_loop3A_115], %parallel_loop3A_112 {strides = array<i32>} : memref<4x8192xf32, #tpu.memory_space<vmem>>, vector<16xf32>,
      %parallel_loop3A_117 = arith.constant 0 : i32
      %parallel_loop3A_118 = vector.broadcast %parallel_loop3A_117 : i32 to vector<16xi32>
      %parallel_loop3A_119 = arith.cmpi slt, %parallel_loop3A_88, %parallel_loop3A_118 : vector<16xi32>
      %parallel_loop3A_120 = arith.constant 16 : i32
      %parallel_loop3A_121 = vector.broadcast %parallel_loop3A_120 : i32 to vector<16xi32>
      %parallel_loop3A_122 = arith.addi %parallel_loop3A_88, %parallel_loop3A_121 : vector<16xi32>
      %parallel_loop3A_123 = arith.select %parallel_loop3A_119, %parallel_loop3A_122, %parallel_loop3A_88 : vector<16xi1>, vector<16xi32>
      %parallel_loop3A_124 = vector.shape_cast %parallel_loop3A_123 : vector<16xi32> to vector<16x1xi32>
      %parallel_loop3A_125 = vector.shape_cast %parallel_loop3A_124 : vector<16x1xi32> to vector<16xi32>
      %parallel_loop3A_126 = tpu.dynamic_gather %gather3A_11[%parallel_loop3A_125] in [0] : vector<16xf32>, vector<16xi32> -> vector<16xf32>
      %parallel_loop3A_127 = arith.constant 2 : i32
      %parallel_loop3A_128 = arith.index_cast %parallel_loop3A_127 : i32 to index
      %parallel_loop3A_129 = arith.index_cast %parallel_loop3A_86 : i32 to index
      %parallel_loop3A_130 = tpu.vector_load %arg8[%parallel_loop3A_128, %parallel_loop3A_129] {strides = array<i32>} : memref<4x8192xf32, #tpu.memory_space<vmem>>, vector<16xf32>,
      tpu.vector_store %arg8[%parallel_loop3A_128, %parallel_loop3A_129], %parallel_loop3A_126 {strides = array<i32>} : memref<4x8192xf32, #tpu.memory_space<vmem>>, vector<16xf32>,
      %parallel_loop3A_131 = arith.constant 0 : i32
      %parallel_loop3A_132 = vector.broadcast %parallel_loop3A_131 : i32 to vector<16xi32>
      %parallel_loop3A_133 = arith.cmpi slt, %parallel_loop3A_88, %parallel_loop3A_132 : vector<16xi32>
      %parallel_loop3A_134 = arith.constant 16 : i32
      %parallel_loop3A_135 = vector.broadcast %parallel_loop3A_134 : i32 to vector<16xi32>
      %parallel_loop3A_136 = arith.addi %parallel_loop3A_88, %parallel_loop3A_135 : vector<16xi32>
      %parallel_loop3A_137 = arith.select %parallel_loop3A_133, %parallel_loop3A_136, %parallel_loop3A_88 : vector<16xi1>, vector<16xi32>
      %parallel_loop3A_138 = vector.shape_cast %parallel_loop3A_137 : vector<16xi32> to vector<16x1xi32>
      %parallel_loop3A_139 = vector.shape_cast %parallel_loop3A_138 : vector<16x1xi32> to vector<16xi32>
      %parallel_loop3A_140 = tpu.dynamic_gather %gather3A_14[%parallel_loop3A_139] in [0] : vector<16xf32>, vector<16xi32> -> vector<16xf32>
      %parallel_loop3A_141 = arith.constant 3 : i32
      %parallel_loop3A_142 = arith.index_cast %parallel_loop3A_141 : i32 to index
      %parallel_loop3A_143 = arith.index_cast %parallel_loop3A_86 : i32 to index
      %parallel_loop3A_144 = tpu.vector_load %arg8[%parallel_loop3A_142, %parallel_loop3A_143] {strides = array<i32>} : memref<4x8192xf32, #tpu.memory_space<vmem>>, vector<16xf32>,
      tpu.vector_store %arg8[%parallel_loop3A_142, %parallel_loop3A_143], %parallel_loop3A_140 {strides = array<i32>} : memref<4x8192xf32, #tpu.memory_space<vmem>>, vector<16xf32>,
    } {sc.loop_unroll_factor = 16 : i64, sc.parallel_access}
    %add3A_23 = arith.constant 0 : i32
    %add3A_24 = arith.addi %mul3A_2, %add3A_23 : i32
    %dma_start3A_25 = arith.constant 0 : i32
    %dma_start3A_26 = tpu.memref_slice %arg4[%dma_start3A_25, %add3A_24] : memref<4x1048576xf32, #tpu.memory_space<hbm>> -> memref<4x8192xf32, #tpu.memory_space<hbm>>
    %dma_start3A_27 = arith.constant 0 : i32
    %dma_start3A_28 = tpu.memref_slice %arg4[%dma_start3A_27, %add3A_24] : memref<4x1048576xf32, #tpu.memory_space<hbm>> -> memref<4x8192xf32, #tpu.memory_space<hbm>>
    tpu.enqueue_dma source(%arg8 : memref<4x8192xf32, #tpu.memory_space<vmem>>) target(%dma_start3A_28 : memref<4x8192xf32, #tpu.memory_space<hbm>>) target_semaphore(%arg13 : memref<!tpu.dma_semaphore, #tpu.memory_space<semaphore_mem>>)
    %add3A_29 = arith.constant 16384 : i32
    %add3A_30 = arith.addi %mul3A_2, %add3A_29 : i32
    %dma_start3A_31 = tpu.memref_slice %arg2[%add3A_30] : memref<1048576xi32, #tpu.memory_space<hbm>> -> memref<8192xi32, #tpu.memory_space<hbm>>
    %dma_start3A_32 = tpu.memref_slice %arg2[%add3A_30] : memref<1048576xi32, #tpu.memory_space<hbm>> -> memref<8192xi32, #tpu.memory_space<hbm>>
    tpu.enqueue_dma source(%dma_start3A_32 : memref<8192xi32, #tpu.memory_space<hbm>>) target(%arg6 : memref<8192xi32, #tpu.memory_space<vmem>>) target_semaphore(%arg11 : memref<!tpu.dma_semaphore, #tpu.memory_space<semaphore_mem>>)
    %dma_wait3A_33 = tpu.memref_slice %arg2[%add3A_17] : memref<1048576xi32, #tpu.memory_space<hbm>> -> memref<8192xi32, #tpu.memory_space<hbm>>
    %dma_wait3A_34 = tpu.memref_slice %arg2[%add3A_17] : memref<1048576xi32, #tpu.memory_space<hbm>> -> memref<8192xi32, #tpu.memory_space<hbm>>
    tpu.wait_dma2 semaphore(%arg12 : memref<!tpu.dma_semaphore, #tpu.memory_space<semaphore_mem>>) src(%dma_wait3A_34 : memref<8192xi32, #tpu.memory_space<hbm>>) dst(%arg7 : memref<8192xi32, #tpu.memory_space<vmem>>)
    %parallel_loop3A_35 = arith.constant 0 : i32
    %parallel_loop3A_36 = arith.constant 8192 : i32
    %parallel_loop3A_37 = arith.constant 16 : i32
    scf.for %parallel_loop3A_86 = %parallel_loop3A_35 to %parallel_loop3A_36 step %parallel_loop3A_37  : i32 {
      %parallel_loop3A_87 = arith.index_cast %parallel_loop3A_86 : i32 to index
      %parallel_loop3A_88 = tpu.vector_load %arg7[%parallel_loop3A_87] {strides = array<i32>} : memref<8192xi32, #tpu.memory_space<vmem>>, vector<16xi32>,
      %parallel_loop3A_89 = arith.constant 0 : i32
      %parallel_loop3A_90 = vector.broadcast %parallel_loop3A_89 : i32 to vector<16xi32>
      %parallel_loop3A_91 = arith.cmpi slt, %parallel_loop3A_88, %parallel_loop3A_90 : vector<16xi32>
      %parallel_loop3A_92 = arith.constant 16 : i32
      %parallel_loop3A_93 = vector.broadcast %parallel_loop3A_92 : i32 to vector<16xi32>
      %parallel_loop3A_94 = arith.addi %parallel_loop3A_88, %parallel_loop3A_93 : vector<16xi32>
      %parallel_loop3A_95 = arith.select %parallel_loop3A_91, %parallel_loop3A_94, %parallel_loop3A_88 : vector<16xi1>, vector<16xi32>
      %parallel_loop3A_96 = vector.shape_cast %parallel_loop3A_95 : vector<16xi32> to vector<16x1xi32>
      %parallel_loop3A_97 = vector.shape_cast %parallel_loop3A_96 : vector<16x1xi32> to vector<16xi32>
      %parallel_loop3A_98 = tpu.dynamic_gather %gather3A[%parallel_loop3A_97] in [0] : vector<16xf32>, vector<16xi32> -> vector<16xf32>
      %parallel_loop3A_99 = arith.constant 0 : i32
      %parallel_loop3A_100 = arith.index_cast %parallel_loop3A_99 : i32 to index
      %parallel_loop3A_101 = arith.index_cast %parallel_loop3A_86 : i32 to index
      %parallel_loop3A_102 = tpu.vector_load %arg9[%parallel_loop3A_100, %parallel_loop3A_101] {strides = array<i32>} : memref<4x8192xf32, #tpu.memory_space<vmem>>, vector<16xf32>,
      tpu.vector_store %arg9[%parallel_loop3A_100, %parallel_loop3A_101], %parallel_loop3A_98 {strides = array<i32>} : memref<4x8192xf32, #tpu.memory_space<vmem>>, vector<16xf32>,
      %parallel_loop3A_103 = arith.constant 0 : i32
      %parallel_loop3A_104 = vector.broadcast %parallel_loop3A_103 : i32 to vector<16xi32>
      %parallel_loop3A_105 = arith.cmpi slt, %parallel_loop3A_88, %parallel_loop3A_104 : vector<16xi32>
      %parallel_loop3A_106 = arith.constant 16 : i32
      %parallel_loop3A_107 = vector.broadcast %parallel_loop3A_106 : i32 to vector<16xi32>
      %parallel_loop3A_108 = arith.addi %parallel_loop3A_88, %parallel_loop3A_107 : vector<16xi32>
      %parallel_loop3A_109 = arith.select %parallel_loop3A_105, %parallel_loop3A_108, %parallel_loop3A_88 : vector<16xi1>, vector<16xi32>
      %parallel_loop3A_110 = vector.shape_cast %parallel_loop3A_109 : vector<16xi32> to vector<16x1xi32>
      %parallel_loop3A_111 = vector.shape_cast %parallel_loop3A_110 : vector<16x1xi32> to vector<16xi32>
      %parallel_loop3A_112 = tpu.dynamic_gather %gather3A_8[%parallel_loop3A_111] in [0] : vector<16xf32>, vector<16xi32> -> vector<16xf32>
      %parallel_loop3A_113 = arith.constant 1 : i32
      %parallel_loop3A_114 = arith.index_cast %parallel_loop3A_113 : i32 to index
      %parallel_loop3A_115 = arith.index_cast %parallel_loop3A_86 : i32 to index
      %parallel_loop3A_116 = tpu.vector_load %arg9[%parallel_loop3A_114, %parallel_loop3A_115] {strides = array<i32>} : memref<4x8192xf32, #tpu.memory_space<vmem>>, vector<16xf32>,
      tpu.vector_store %arg9[%parallel_loop3A_114, %parallel_loop3A_115], %parallel_loop3A_112 {strides = array<i32>} : memref<4x8192xf32, #tpu.memory_space<vmem>>, vector<16xf32>,
      %parallel_loop3A_117 = arith.constant 0 : i32
      %parallel_loop3A_118 = vector.broadcast %parallel_loop3A_117 : i32 to vector<16xi32>
      %parallel_loop3A_119 = arith.cmpi slt, %parallel_loop3A_88, %parallel_loop3A_118 : vector<16xi32>
      %parallel_loop3A_120 = arith.constant 16 : i32
      %parallel_loop3A_121 = vector.broadcast %parallel_loop3A_120 : i32 to vector<16xi32>
      %parallel_loop3A_122 = arith.addi %parallel_loop3A_88, %parallel_loop3A_121 : vector<16xi32>
      %parallel_loop3A_123 = arith.select %parallel_loop3A_119, %parallel_loop3A_122, %parallel_loop3A_88 : vector<16xi1>, vector<16xi32>
      %parallel_loop3A_124 = vector.shape_cast %parallel_loop3A_123 : vector<16xi32> to vector<16x1xi32>
      %parallel_loop3A_125 = vector.shape_cast %parallel_loop3A_124 : vector<16x1xi32> to vector<16xi32>
      %parallel_loop3A_126 = tpu.dynamic_gather %gather3A_11[%parallel_loop3A_125] in [0] : vector<16xf32>, vector<16xi32> -> vector<16xf32>
      %parallel_loop3A_127 = arith.constant 2 : i32
      %parallel_loop3A_128 = arith.index_cast %parallel_loop3A_127 : i32 to index
      %parallel_loop3A_129 = arith.index_cast %parallel_loop3A_86 : i32 to index
      %parallel_loop3A_130 = tpu.vector_load %arg9[%parallel_loop3A_128, %parallel_loop3A_129] {strides = array<i32>} : memref<4x8192xf32, #tpu.memory_space<vmem>>, vector<16xf32>,
      tpu.vector_store %arg9[%parallel_loop3A_128, %parallel_loop3A_129], %parallel_loop3A_126 {strides = array<i32>} : memref<4x8192xf32, #tpu.memory_space<vmem>>, vector<16xf32>,
      %parallel_loop3A_131 = arith.constant 0 : i32
      %parallel_loop3A_132 = vector.broadcast %parallel_loop3A_131 : i32 to vector<16xi32>
      %parallel_loop3A_133 = arith.cmpi slt, %parallel_loop3A_88, %parallel_loop3A_132 : vector<16xi32>
      %parallel_loop3A_134 = arith.constant 16 : i32
      %parallel_loop3A_135 = vector.broadcast %parallel_loop3A_134 : i32 to vector<16xi32>
      %parallel_loop3A_136 = arith.addi %parallel_loop3A_88, %parallel_loop3A_135 : vector<16xi32>
      %parallel_loop3A_137 = arith.select %parallel_loop3A_133, %parallel_loop3A_136, %parallel_loop3A_88 : vector<16xi1>, vector<16xi32>
      %parallel_loop3A_138 = vector.shape_cast %parallel_loop3A_137 : vector<16xi32> to vector<16x1xi32>
      %parallel_loop3A_139 = vector.shape_cast %parallel_loop3A_138 : vector<16x1xi32> to vector<16xi32>
      %parallel_loop3A_140 = tpu.dynamic_gather %gather3A_14[%parallel_loop3A_139] in [0] : vector<16xf32>, vector<16xi32> -> vector<16xf32>
      %parallel_loop3A_141 = arith.constant 3 : i32
      %parallel_loop3A_142 = arith.index_cast %parallel_loop3A_141 : i32 to index
      %parallel_loop3A_143 = arith.index_cast %parallel_loop3A_86 : i32 to index
      %parallel_loop3A_144 = tpu.vector_load %arg9[%parallel_loop3A_142, %parallel_loop3A_143] {strides = array<i32>} : memref<4x8192xf32, #tpu.memory_space<vmem>>, vector<16xf32>,
      tpu.vector_store %arg9[%parallel_loop3A_142, %parallel_loop3A_143], %parallel_loop3A_140 {strides = array<i32>} : memref<4x8192xf32, #tpu.memory_space<vmem>>, vector<16xf32>,
    } {sc.loop_unroll_factor = 16 : i64, sc.parallel_access}
    %add3A_38 = arith.constant 8192 : i32
    %add3A_39 = arith.addi %mul3A_2, %add3A_38 : i32
    %dma_start3A_40 = arith.constant 0 : i32
    %dma_start3A_41 = tpu.memref_slice %arg4[%dma_start3A_40, %add3A_39] : memref<4x1048576xf32, #tpu.memory_space<hbm>> -> memref<4x8192xf32, #tpu.memory_space<hbm>>
    %dma_start3A_42 = arith.constant 0 : i32
    %dma_start3A_43 = tpu.memref_slice %arg4[%dma_start3A_42, %add3A_39] : memref<4x1048576xf32, #tpu.memory_space<hbm>> -> memref<4x8192xf32, #tpu.memory_space<hbm>>
    tpu.enqueue_dma source(%arg9 : memref<4x8192xf32, #tpu.memory_space<vmem>>) target(%dma_start3A_43 : memref<4x8192xf32, #tpu.memory_space<hbm>>) target_semaphore(%arg14 : memref<!tpu.dma_semaphore, #tpu.memory_space<semaphore_mem>>)
    %add3A_44 = arith.constant 24576 : i32
    %add3A_45 = arith.addi %mul3A_2, %add3A_44 : i32
    %dma_start3A_46 = tpu.memref_slice %arg2[%add3A_45] : memref<1048576xi32, #tpu.memory_space<hbm>> -> memref<8192xi32, #tpu.memory_space<hbm>>
    %dma_start3A_47 = tpu.memref_slice %arg2[%add3A_45] : memref<1048576xi32, #tpu.memory_space<hbm>> -> memref<8192xi32, #tpu.memory_space<hbm>>
    tpu.enqueue_dma source(%dma_start3A_47 : memref<8192xi32, #tpu.memory_space<hbm>>) target(%arg7 : memref<8192xi32, #tpu.memory_space<vmem>>) target_semaphore(%arg12 : memref<!tpu.dma_semaphore, #tpu.memory_space<semaphore_mem>>)
    %dma_wait3A_48 = tpu.memref_slice %arg2[%add3A_30] : memref<1048576xi32, #tpu.memory_space<hbm>> -> memref<8192xi32, #tpu.memory_space<hbm>>
    %dma_wait3A_49 = tpu.memref_slice %arg2[%add3A_30] : memref<1048576xi32, #tpu.memory_space<hbm>> -> memref<8192xi32, #tpu.memory_space<hbm>>
    tpu.wait_dma2 semaphore(%arg11 : memref<!tpu.dma_semaphore, #tpu.memory_space<semaphore_mem>>) src(%dma_wait3A_49 : memref<8192xi32, #tpu.memory_space<hbm>>) dst(%arg6 : memref<8192xi32, #tpu.memory_space<vmem>>)
    %parallel_loop3A_50 = arith.constant 0 : i32
    %parallel_loop3A_51 = arith.constant 8192 : i32
    %parallel_loop3A_52 = arith.constant 16 : i32
    scf.for %parallel_loop3A_86 = %parallel_loop3A_50 to %parallel_loop3A_51 step %parallel_loop3A_52  : i32 {
      %parallel_loop3A_87 = arith.index_cast %parallel_loop3A_86 : i32 to index
      %parallel_loop3A_88 = tpu.vector_load %arg6[%parallel_loop3A_87] {strides = array<i32>} : memref<8192xi32, #tpu.memory_space<vmem>>, vector<16xi32>,
      %parallel_loop3A_89 = arith.constant 0 : i32
      %parallel_loop3A_90 = vector.broadcast %parallel_loop3A_89 : i32 to vector<16xi32>
      %parallel_loop3A_91 = arith.cmpi slt, %parallel_loop3A_88, %parallel_loop3A_90 : vector<16xi32>
      %parallel_loop3A_92 = arith.constant 16 : i32
      %parallel_loop3A_93 = vector.broadcast %parallel_loop3A_92 : i32 to vector<16xi32>
      %parallel_loop3A_94 = arith.addi %parallel_loop3A_88, %parallel_loop3A_93 : vector<16xi32>
      %parallel_loop3A_95 = arith.select %parallel_loop3A_91, %parallel_loop3A_94, %parallel_loop3A_88 : vector<16xi1>, vector<16xi32>
      %parallel_loop3A_96 = vector.shape_cast %parallel_loop3A_95 : vector<16xi32> to vector<16x1xi32>
      %parallel_loop3A_97 = vector.shape_cast %parallel_loop3A_96 : vector<16x1xi32> to vector<16xi32>
      %parallel_loop3A_98 = tpu.dynamic_gather %gather3A[%parallel_loop3A_97] in [0] : vector<16xf32>, vector<16xi32> -> vector<16xf32>
      %parallel_loop3A_99 = arith.constant 0 : i32
      %parallel_loop3A_100 = arith.index_cast %parallel_loop3A_99 : i32 to index
      %parallel_loop3A_101 = arith.index_cast %parallel_loop3A_86 : i32 to index
      %parallel_loop3A_102 = tpu.vector_load %arg10[%parallel_loop3A_100, %parallel_loop3A_101] {strides = array<i32>} : memref<4x8192xf32, #tpu.memory_space<vmem>>, vector<16xf32>,
      tpu.vector_store %arg10[%parallel_loop3A_100, %parallel_loop3A_101], %parallel_loop3A_98 {strides = array<i32>} : memref<4x8192xf32, #tpu.memory_space<vmem>>, vector<16xf32>,
      %parallel_loop3A_103 = arith.constant 0 : i32
      %parallel_loop3A_104 = vector.broadcast %parallel_loop3A_103 : i32 to vector<16xi32>
      %parallel_loop3A_105 = arith.cmpi slt, %parallel_loop3A_88, %parallel_loop3A_104 : vector<16xi32>
      %parallel_loop3A_106 = arith.constant 16 : i32
      %parallel_loop3A_107 = vector.broadcast %parallel_loop3A_106 : i32 to vector<16xi32>
      %parallel_loop3A_108 = arith.addi %parallel_loop3A_88, %parallel_loop3A_107 : vector<16xi32>
      %parallel_loop3A_109 = arith.select %parallel_loop3A_105, %parallel_loop3A_108, %parallel_loop3A_88 : vector<16xi1>, vector<16xi32>
      %parallel_loop3A_110 = vector.shape_cast %parallel_loop3A_109 : vector<16xi32> to vector<16x1xi32>
      %parallel_loop3A_111 = vector.shape_cast %parallel_loop3A_110 : vector<16x1xi32> to vector<16xi32>
      %parallel_loop3A_112 = tpu.dynamic_gather %gather3A_8[%parallel_loop3A_111] in [0] : vector<16xf32>, vector<16xi32> -> vector<16xf32>
      %parallel_loop3A_113 = arith.constant 1 : i32
      %parallel_loop3A_114 = arith.index_cast %parallel_loop3A_113 : i32 to index
      %parallel_loop3A_115 = arith.index_cast %parallel_loop3A_86 : i32 to index
      %parallel_loop3A_116 = tpu.vector_load %arg10[%parallel_loop3A_114, %parallel_loop3A_115] {strides = array<i32>} : memref<4x8192xf32, #tpu.memory_space<vmem>>, vector<16xf32>,
      tpu.vector_store %arg10[%parallel_loop3A_114, %parallel_loop3A_115], %parallel_loop3A_112 {strides = array<i32>} : memref<4x8192xf32, #tpu.memory_space<vmem>>, vector<16xf32>,
      %parallel_loop3A_117 = arith.constant 0 : i32
      %parallel_loop3A_118 = vector.broadcast %parallel_loop3A_117 : i32 to vector<16xi32>
      %parallel_loop3A_119 = arith.cmpi slt, %parallel_loop3A_88, %parallel_loop3A_118 : vector<16xi32>
      %parallel_loop3A_120 = arith.constant 16 : i32
      %parallel_loop3A_121 = vector.broadcast %parallel_loop3A_120 : i32 to vector<16xi32>
      %parallel_loop3A_122 = arith.addi %parallel_loop3A_88, %parallel_loop3A_121 : vector<16xi32>
      %parallel_loop3A_123 = arith.select %parallel_loop3A_119, %parallel_loop3A_122, %parallel_loop3A_88 : vector<16xi1>, vector<16xi32>
      %parallel_loop3A_124 = vector.shape_cast %parallel_loop3A_123 : vector<16xi32> to vector<16x1xi32>
      %parallel_loop3A_125 = vector.shape_cast %parallel_loop3A_124 : vector<16x1xi32> to vector<16xi32>
      %parallel_loop3A_126 = tpu.dynamic_gather %gather3A_11[%parallel_loop3A_125] in [0] : vector<16xf32>, vector<16xi32> -> vector<16xf32>
      %parallel_loop3A_127 = arith.constant 2 : i32
      %parallel_loop3A_128 = arith.index_cast %parallel_loop3A_127 : i32 to index
      %parallel_loop3A_129 = arith.index_cast %parallel_loop3A_86 : i32 to index
      %parallel_loop3A_130 = tpu.vector_load %arg10[%parallel_loop3A_128, %parallel_loop3A_129] {strides = array<i32>} : memref<4x8192xf32, #tpu.memory_space<vmem>>, vector<16xf32>,
      tpu.vector_store %arg10[%parallel_loop3A_128, %parallel_loop3A_129], %parallel_loop3A_126 {strides = array<i32>} : memref<4x8192xf32, #tpu.memory_space<vmem>>, vector<16xf32>,
      %parallel_loop3A_131 = arith.constant 0 : i32
      %parallel_loop3A_132 = vector.broadcast %parallel_loop3A_131 : i32 to vector<16xi32>
      %parallel_loop3A_133 = arith.cmpi slt, %parallel_loop3A_88, %parallel_loop3A_132 : vector<16xi32>
      %parallel_loop3A_134 = arith.constant 16 : i32
      %parallel_loop3A_135 = vector.broadcast %parallel_loop3A_134 : i32 to vector<16xi32>
      %parallel_loop3A_136 = arith.addi %parallel_loop3A_88, %parallel_loop3A_135 : vector<16xi32>
      %parallel_loop3A_137 = arith.select %parallel_loop3A_133, %parallel_loop3A_136, %parallel_loop3A_88 : vector<16xi1>, vector<16xi32>
      %parallel_loop3A_138 = vector.shape_cast %parallel_loop3A_137 : vector<16xi32> to vector<16x1xi32>
      %parallel_loop3A_139 = vector.shape_cast %parallel_loop3A_138 : vector<16x1xi32> to vector<16xi32>
      %parallel_loop3A_140 = tpu.dynamic_gather %gather3A_14[%parallel_loop3A_139] in [0] : vector<16xf32>, vector<16xi32> -> vector<16xf32>
      %parallel_loop3A_141 = arith.constant 3 : i32
      %parallel_loop3A_142 = arith.index_cast %parallel_loop3A_141 : i32 to index
      %parallel_loop3A_143 = arith.index_cast %parallel_loop3A_86 : i32 to index
      %parallel_loop3A_144 = tpu.vector_load %arg10[%parallel_loop3A_142, %parallel_loop3A_143] {strides = array<i32>} : memref<4x8192xf32, #tpu.memory_space<vmem>>, vector<16xf32>,
      tpu.vector_store %arg10[%parallel_loop3A_142, %parallel_loop3A_143], %parallel_loop3A_140 {strides = array<i32>} : memref<4x8192xf32, #tpu.memory_space<vmem>>, vector<16xf32>,
    } {sc.loop_unroll_factor = 16 : i64, sc.parallel_access}
    %add3A_53 = arith.constant 16384 : i32
    %add3A_54 = arith.addi %mul3A_2, %add3A_53 : i32
    %dma_start3A_55 = arith.constant 0 : i32
    %dma_start3A_56 = tpu.memref_slice %arg4[%dma_start3A_55, %add3A_54] : memref<4x1048576xf32, #tpu.memory_space<hbm>> -> memref<4x8192xf32, #tpu.memory_space<hbm>>
    %dma_start3A_57 = arith.constant 0 : i32
    %dma_start3A_58 = tpu.memref_slice %arg4[%dma_start3A_57, %add3A_54] : memref<4x1048576xf32, #tpu.memory_space<hbm>> -> memref<4x8192xf32, #tpu.memory_space<hbm>>
    tpu.enqueue_dma source(%arg10 : memref<4x8192xf32, #tpu.memory_space<vmem>>) target(%dma_start3A_58 : memref<4x8192xf32, #tpu.memory_space<hbm>>) target_semaphore(%arg15 : memref<!tpu.dma_semaphore, #tpu.memory_space<semaphore_mem>>)
    %dma_wait3A_59 = tpu.memref_slice %arg2[%add3A_45] : memref<1048576xi32, #tpu.memory_space<hbm>> -> memref<8192xi32, #tpu.memory_space<hbm>>
    %dma_wait3A_60 = tpu.memref_slice %arg2[%add3A_45] : memref<1048576xi32, #tpu.memory_space<hbm>> -> memref<8192xi32, #tpu.memory_space<hbm>>
    tpu.wait_dma2 semaphore(%arg12 : memref<!tpu.dma_semaphore, #tpu.memory_space<semaphore_mem>>) src(%dma_wait3A_60 : memref<8192xi32, #tpu.memory_space<hbm>>) dst(%arg7 : memref<8192xi32, #tpu.memory_space<vmem>>)
    %dma_wait3A_61 = arith.constant 0 : i32
    %dma_wait3A_62 = tpu.memref_slice %arg4[%dma_wait3A_61, %add3A_24] : memref<4x1048576xf32, #tpu.memory_space<hbm>> -> memref<4x8192xf32, #tpu.memory_space<hbm>>
    %dma_wait3A_63 = arith.constant 0 : i32
    %dma_wait3A_64 = tpu.memref_slice %arg4[%dma_wait3A_63, %add3A_24] : memref<4x1048576xf32, #tpu.memory_space<hbm>> -> memref<4x8192xf32, #tpu.memory_space<hbm>>
    tpu.wait_dma2 semaphore(%arg13 : memref<!tpu.dma_semaphore, #tpu.memory_space<semaphore_mem>>) src(%arg8 : memref<4x8192xf32, #tpu.memory_space<vmem>>) dst(%dma_wait3A_64 : memref<4x8192xf32, #tpu.memory_space<hbm>>)
    %parallel_loop3A_65 = arith.constant 0 : i32
    %parallel_loop3A_66 = arith.constant 8192 : i32
    %parallel_loop3A_67 = arith.constant 16 : i32
    scf.for %parallel_loop3A_86 = %parallel_loop3A_65 to %parallel_loop3A_66 step %parallel_loop3A_67  : i32 {
      %parallel_loop3A_87 = arith.index_cast %parallel_loop3A_86 : i32 to index
      %parallel_loop3A_88 = tpu.vector_load %arg7[%parallel_loop3A_87] {strides = array<i32>} : memref<8192xi32, #tpu.memory_space<vmem>>, vector<16xi32>,
      %parallel_loop3A_89 = arith.constant 0 : i32
      %parallel_loop3A_90 = vector.broadcast %parallel_loop3A_89 : i32 to vector<16xi32>
      %parallel_loop3A_91 = arith.cmpi slt, %parallel_loop3A_88, %parallel_loop3A_90 : vector<16xi32>
      %parallel_loop3A_92 = arith.constant 16 : i32
      %parallel_loop3A_93 = vector.broadcast %parallel_loop3A_92 : i32 to vector<16xi32>
      %parallel_loop3A_94 = arith.addi %parallel_loop3A_88, %parallel_loop3A_93 : vector<16xi32>
      %parallel_loop3A_95 = arith.select %parallel_loop3A_91, %parallel_loop3A_94, %parallel_loop3A_88 : vector<16xi1>, vector<16xi32>
      %parallel_loop3A_96 = vector.shape_cast %parallel_loop3A_95 : vector<16xi32> to vector<16x1xi32>
      %parallel_loop3A_97 = vector.shape_cast %parallel_loop3A_96 : vector<16x1xi32> to vector<16xi32>
      %parallel_loop3A_98 = tpu.dynamic_gather %gather3A[%parallel_loop3A_97] in [0] : vector<16xf32>, vector<16xi32> -> vector<16xf32>
      %parallel_loop3A_99 = arith.constant 0 : i32
      %parallel_loop3A_100 = arith.index_cast %parallel_loop3A_99 : i32 to index
      %parallel_loop3A_101 = arith.index_cast %parallel_loop3A_86 : i32 to index
      %parallel_loop3A_102 = tpu.vector_load %arg8[%parallel_loop3A_100, %parallel_loop3A_101] {strides = array<i32>} : memref<4x8192xf32, #tpu.memory_space<vmem>>, vector<16xf32>,
      tpu.vector_store %arg8[%parallel_loop3A_100, %parallel_loop3A_101], %parallel_loop3A_98 {strides = array<i32>} : memref<4x8192xf32, #tpu.memory_space<vmem>>, vector<16xf32>,
      %parallel_loop3A_103 = arith.constant 0 : i32
      %parallel_loop3A_104 = vector.broadcast %parallel_loop3A_103 : i32 to vector<16xi32>
      %parallel_loop3A_105 = arith.cmpi slt, %parallel_loop3A_88, %parallel_loop3A_104 : vector<16xi32>
      %parallel_loop3A_106 = arith.constant 16 : i32
      %parallel_loop3A_107 = vector.broadcast %parallel_loop3A_106 : i32 to vector<16xi32>
      %parallel_loop3A_108 = arith.addi %parallel_loop3A_88, %parallel_loop3A_107 : vector<16xi32>
      %parallel_loop3A_109 = arith.select %parallel_loop3A_105, %parallel_loop3A_108, %parallel_loop3A_88 : vector<16xi1>, vector<16xi32>
      %parallel_loop3A_110 = vector.shape_cast %parallel_loop3A_109 : vector<16xi32> to vector<16x1xi32>
      %parallel_loop3A_111 = vector.shape_cast %parallel_loop3A_110 : vector<16x1xi32> to vector<16xi32>
      %parallel_loop3A_112 = tpu.dynamic_gather %gather3A_8[%parallel_loop3A_111] in [0] : vector<16xf32>, vector<16xi32> -> vector<16xf32>
      %parallel_loop3A_113 = arith.constant 1 : i32
      %parallel_loop3A_114 = arith.index_cast %parallel_loop3A_113 : i32 to index
      %parallel_loop3A_115 = arith.index_cast %parallel_loop3A_86 : i32 to index
      %parallel_loop3A_116 = tpu.vector_load %arg8[%parallel_loop3A_114, %parallel_loop3A_115] {strides = array<i32>} : memref<4x8192xf32, #tpu.memory_space<vmem>>, vector<16xf32>,
      tpu.vector_store %arg8[%parallel_loop3A_114, %parallel_loop3A_115], %parallel_loop3A_112 {strides = array<i32>} : memref<4x8192xf32, #tpu.memory_space<vmem>>, vector<16xf32>,
      %parallel_loop3A_117 = arith.constant 0 : i32
      %parallel_loop3A_118 = vector.broadcast %parallel_loop3A_117 : i32 to vector<16xi32>
      %parallel_loop3A_119 = arith.cmpi slt, %parallel_loop3A_88, %parallel_loop3A_118 : vector<16xi32>
      %parallel_loop3A_120 = arith.constant 16 : i32
      %parallel_loop3A_121 = vector.broadcast %parallel_loop3A_120 : i32 to vector<16xi32>
      %parallel_loop3A_122 = arith.addi %parallel_loop3A_88, %parallel_loop3A_121 : vector<16xi32>
      %parallel_loop3A_123 = arith.select %parallel_loop3A_119, %parallel_loop3A_122, %parallel_loop3A_88 : vector<16xi1>, vector<16xi32>
      %parallel_loop3A_124 = vector.shape_cast %parallel_loop3A_123 : vector<16xi32> to vector<16x1xi32>
      %parallel_loop3A_125 = vector.shape_cast %parallel_loop3A_124 : vector<16x1xi32> to vector<16xi32>
      %parallel_loop3A_126 = tpu.dynamic_gather %gather3A_11[%parallel_loop3A_125] in [0] : vector<16xf32>, vector<16xi32> -> vector<16xf32>
      %parallel_loop3A_127 = arith.constant 2 : i32
      %parallel_loop3A_128 = arith.index_cast %parallel_loop3A_127 : i32 to index
      %parallel_loop3A_129 = arith.index_cast %parallel_loop3A_86 : i32 to index
      %parallel_loop3A_130 = tpu.vector_load %arg8[%parallel_loop3A_128, %parallel_loop3A_129] {strides = array<i32>} : memref<4x8192xf32, #tpu.memory_space<vmem>>, vector<16xf32>,
      tpu.vector_store %arg8[%parallel_loop3A_128, %parallel_loop3A_129], %parallel_loop3A_126 {strides = array<i32>} : memref<4x8192xf32, #tpu.memory_space<vmem>>, vector<16xf32>,
      %parallel_loop3A_131 = arith.constant 0 : i32
      %parallel_loop3A_132 = vector.broadcast %parallel_loop3A_131 : i32 to vector<16xi32>
      %parallel_loop3A_133 = arith.cmpi slt, %parallel_loop3A_88, %parallel_loop3A_132 : vector<16xi32>
      %parallel_loop3A_134 = arith.constant 16 : i32
      %parallel_loop3A_135 = vector.broadcast %parallel_loop3A_134 : i32 to vector<16xi32>
      %parallel_loop3A_136 = arith.addi %parallel_loop3A_88, %parallel_loop3A_135 : vector<16xi32>
      %parallel_loop3A_137 = arith.select %parallel_loop3A_133, %parallel_loop3A_136, %parallel_loop3A_88 : vector<16xi1>, vector<16xi32>
      %parallel_loop3A_138 = vector.shape_cast %parallel_loop3A_137 : vector<16xi32> to vector<16x1xi32>
      %parallel_loop3A_139 = vector.shape_cast %parallel_loop3A_138 : vector<16x1xi32> to vector<16xi32>
      %parallel_loop3A_140 = tpu.dynamic_gather %gather3A_14[%parallel_loop3A_139] in [0] : vector<16xf32>, vector<16xi32> -> vector<16xf32>
      %parallel_loop3A_141 = arith.constant 3 : i32
      %parallel_loop3A_142 = arith.index_cast %parallel_loop3A_141 : i32 to index
      %parallel_loop3A_143 = arith.index_cast %parallel_loop3A_86 : i32 to index
      %parallel_loop3A_144 = tpu.vector_load %arg8[%parallel_loop3A_142, %parallel_loop3A_143] {strides = array<i32>} : memref<4x8192xf32, #tpu.memory_space<vmem>>, vector<16xf32>,
      tpu.vector_store %arg8[%parallel_loop3A_142, %parallel_loop3A_143], %parallel_loop3A_140 {strides = array<i32>} : memref<4x8192xf32, #tpu.memory_space<vmem>>, vector<16xf32>,
    } {sc.loop_unroll_factor = 16 : i64, sc.parallel_access}
    %add3A_68 = arith.constant 24576 : i32
    %add3A_69 = arith.addi %mul3A_2, %add3A_68 : i32
    %dma_start3A_70 = arith.constant 0 : i32
    %dma_start3A_71 = tpu.memref_slice %arg4[%dma_start3A_70, %add3A_69] : memref<4x1048576xf32, #tpu.memory_space<hbm>> -> memref<4x8192xf32, #tpu.memory_space<hbm>>
    %dma_start3A_72 = arith.constant 0 : i32
    %dma_start3A_73 = tpu.memref_slice %arg4[%dma_start3A_72, %add3A_69] : memref<4x1048576xf32, #tpu.memory_space<hbm>> -> memref<4x8192xf32, #tpu.memory_space<hbm>>
    tpu.enqueue_dma source(%arg8 : memref<4x8192xf32, #tpu.memory_space<vmem>>) target(%dma_start3A_73 : memref<4x8192xf32, #tpu.memory_space<hbm>>) target_semaphore(%arg13 : memref<!tpu.dma_semaphore, #tpu.memory_space<semaphore_mem>>)
    %dma_wait3A_74 = arith.constant 0 : i32
    %dma_wait3A_75 = tpu.memref_slice %arg4[%dma_wait3A_74, %add3A_39] : memref<4x1048576xf32, #tpu.memory_space<hbm>> -> memref<4x8192xf32, #tpu.memory_space<hbm>>
    %dma_wait3A_76 = arith.constant 0 : i32
    %dma_wait3A_77 = tpu.memref_slice %arg4[%dma_wait3A_76, %add3A_39] : memref<4x1048576xf32, #tpu.memory_space<hbm>> -> memref<4x8192xf32, #tpu.memory_space<hbm>>
    tpu.wait_dma2 semaphore(%arg14 : memref<!tpu.dma_semaphore, #tpu.memory_space<semaphore_mem>>) src(%arg9 : memref<4x8192xf32, #tpu.memory_space<vmem>>) dst(%dma_wait3A_77 : memref<4x8192xf32, #tpu.memory_space<hbm>>)
    %dma_wait3A_78 = arith.constant 0 : i32
    %dma_wait3A_79 = tpu.memref_slice %arg4[%dma_wait3A_78, %add3A_54] : memref<4x1048576xf32, #tpu.memory_space<hbm>> -> memref<4x8192xf32, #tpu.memory_space<hbm>>
    %dma_wait3A_80 = arith.constant 0 : i32
    %dma_wait3A_81 = tpu.memref_slice %arg4[%dma_wait3A_80, %add3A_54] : memref<4x1048576xf32, #tpu.memory_space<hbm>> -> memref<4x8192xf32, #tpu.memory_space<hbm>>
    tpu.wait_dma2 semaphore(%arg15 : memref<!tpu.dma_semaphore, #tpu.memory_space<semaphore_mem>>) src(%arg10 : memref<4x8192xf32, #tpu.memory_space<vmem>>) dst(%dma_wait3A_81 : memref<4x8192xf32, #tpu.memory_space<hbm>>)
    %dma_wait3A_82 = arith.constant 0 : i32
    %dma_wait3A_83 = tpu.memref_slice %arg4[%dma_wait3A_82, %add3A_69] : memref<4x1048576xf32, #tpu.memory_space<hbm>> -> memref<4x8192xf32, #tpu.memory_space<hbm>>
    %dma_wait3A_84 = arith.constant 0 : i32
    %dma_wait3A_85 = tpu.memref_slice %arg4[%dma_wait3A_84, %add3A_69] : memref<4x1048576xf32, #tpu.memory_space<hbm>> -> memref<4x8192xf32, #tpu.memory_space<hbm>>
    tpu.wait_dma2 semaphore(%arg13 : memref<!tpu.dma_semaphore, #tpu.memory_space<semaphore_mem>>) src(%arg8 : memref<4x8192xf32, #tpu.memory_space<vmem>>) dst(%dma_wait3A_85 : memref<4x8192xf32, #tpu.memory_space<hbm>>)
    return
  }
}

</mosaic_0001>

<sc_bundles>
// kernel: kernel.3.cloned.1.call-start
scs
__scs_entry_jumppad:
0x0: {  	(pc) =	sbr.rel $0x88, $3  }
0x1: {  	(tag) =	ssettag $0x0;
	lr =	simm.s32 $0x1  }
0x2: {  	[smem:$0x3F9F] =	sst lr;
	_ =	strace $0xD0000000  }
0x3: {  	_ = 	snop  }
0x4: {  	_ = 	snop  }
0x5: {  	_ = 	snop  }
0x6: {  	_ = 	snop  }
0x7: {  	_ = 	snop  }
__scs_overlays_trampoline_lowered:
0x8: {  	[smem:$0x3FAE] =	sst s0  }
0x9: {  	[smem:$0x3FAF] =	sst s1  }
0xa: {  	[smem:$0x3FB0] =	sst s2  }
0xb: {  	[smem:$0x3FB1] =	sst s3  }
0xc: {  	[smem:$0x3FB2] =	sst s4  }
0xd: {  	[smem:$0x3FB3] =	sst s5  }
0xe: {  	[smem:$0x3FB4] =	sst s6  }
0xf: {  	[smem:$0x3FB5] =	sst s7  }
0x10: {  	[smem:$0x3FB6] =	sst s8  }
0x11: {  	[smem:$0x3FB7] =	sst s9;
	s0 =	simm.s32 @!p0 $0x0  }
0x12: {  	s1 =	sld [smem:$0x3F9D];
	s0 =	simm.s32 @p0 $0x1  }
0x13: {  	[smem:$0x3FB8] =	sst s0;
	s0 =	simm.s32 @!p1 $0x0  }
0x14: {  	s2 =	sld [smem:$0x3F9C];
	s0 =	simm.s32 @p1 $0x1  }
0x15: {  	[smem:$0x3FB9] =	sst s0;
	s0 =	simm.s32 @!p2 $0x0  }
0x16: {  	s3 =	sld [smem:$0x3FDB];
	s0 =	simm.s32 @p2 $0x1  }
0x17: {  	s4 =	simm.s32 $0x1BF5;
	[smem:$0x3FBB] =	sst s0  }
0x18: {  	s0 =	sld [smem:$0x3F9E];
	_ =	swait.ge [sflag:s4], $0x0  }
0x19: {  	s7 =	sld [smem:$0x3F9F]  }
0x1a: {  	s8 =	sadd.s32 $0xFFFFE003, lr  }
0x1b: {  	s9 =	sadd.s32 $0xFFFFFEF7, lr;
	s5 =	simm.s32 $0xFFFFFFFF;
	p2 =	slt.u32 s8, $0xFFFFF086  }
0x1c: {  	p1 =	slt.u32 s9, $0xF7A;
	s5 =	simm.s32 @!p2 $0x0  }
0x1d: {  	s5 =	simm.s32 @p1 $0x1;
	p0 =	seq.s32 s7, s2  }
0x1e: {  	s7 =	smul.u32 @!p0 $0xF7A, s2;
	p2 =	seq.s32 @!p0 s5, $0x0  }
0x1f: {  	s9 =	smul.u32 $0xF7A, s1;
	s8 =	simm.s32 @!p0 $0x1BF5;
	p2 =	por !p2, p0  }
0x20: {  	[sflag:s8] =	ssyncset.s32 @!p0 $0xFFFFF086;
	s6 =	sadd.s32 @!p0 s3, s7;
	s7 =	simm.s32 @!p0 $0x108  }
0x21: {  	s3 =	sadd.s32 s3, s9;
	s6 =	sadd.s32 @!p0 $0x88, s6;
	s7 =	simm.s32 @p2 $0x1082  }
0x22: {  	[simem:s7], [sflag:s8] =	dma.local @!p0 [hbm:s6], $0xF7A  }
0x23: {  	s9 =	sor.u32 $0xD0000000, s2;
	s6 =	simm.s32 $0x108;
	_ =	swait.ge @!p0 [sflag:s8], $0x0  }
0x24: {  	s3 =	sadd.s32 $0x88, s3;
	s6 =	simm.s32 @!p1 $0x1082;
	[sflag:s4] =	ssyncset.s32 $0xFFFFF086  }
0x25: {  	[simem:s6], [sflag:s4] =	dma.local [hbm:s3], $0xF7A  }
0x26: {  	[smem:$0x3F9F] =	sst s1;
	(tag) =	ssettag s2;
	_ =	strace s9  }
0x27: {  	s1 =	sld [smem:$0x3FAF]  }
0x28: {  	s2 =	sld [smem:$0x3FB0]  }
0x29: {  	s4 =	sld [smem:$0x3FB2]  }
0x2a: {  	p0 =	seq.s32 s5, $0x0;
	s5 =	sld [smem:$0x3FB3]  }
0x2b: {  	s6 =	sld [smem:$0x3FB4]  }
0x2c: {  	s7 =	sld [smem:$0x3FB5]  }
0x2d: {  	s3 =	simm.s32 $0x108;
	s8 =	sld [smem:$0x3FB6]  }
0x2e: {  	s3 =	simm.s32 @!p0 $0x1082;
	s9 =	sld [smem:$0x3FB7]  }
0x2f: {  	lr =	sadd.s32 s0, s3;
	s0 =	sld [smem:$0x3FAE]  }
0x30: {  	s3 =	sld [smem:$0x3FB1]  }
0x31: {  	[smem:$0x3FBA] =	sst s10  }
0x32: {  	s10 =	sld [smem:$0x3FB8];
	_ =	sdelay $0x3  }
0x33: {  	p0 =	seq.s32 s10, $0x1;
	s10 =	sld [smem:$0x3FBA];
	_ =	sdelay $0x3  }
0x34: {  	[smem:$0x3FBA] =	sst s10  }
0x35: {  	s10 =	sld [smem:$0x3FB9];
	_ =	sdelay $0x3  }
0x36: {  	p1 =	seq.s32 s10, $0x1;
	s10 =	sld [smem:$0x3FBA];
	_ =	sdelay $0x3  }
0x37: {  	[smem:$0x3FBA] =	sst s10  }
0x38: {  	s10 =	sld [smem:$0x3FBB]  }
0x39: {  	_ = 	snop;
	(pc) =	sbr.ind lr, $3  }
0x3a: {  	_ = 	snop  }
0x3b: {  	_ = 	snop  }
0x3c: {  	p2 =	seq.s32 s10, $0x1;
	s10 =	sld [smem:$0x3FBA]  }
0x3d: {  	_ =	shalt  }
0x3e: {  	_ =	shalt  }
0x3f: {  	_ =	shalt  }
0x40: {  	_ =	shalt  }
0x41: {  	_ =	shalt  }
0x42: {  	_ =	shalt  }
0x43: {  	_ =	shalt  }
0x44: {  	_ =	shalt  }
0x45: {  	_ =	shalt  }
0x46: {  	_ =	shalt  }
0x47: {  	_ =	shalt  }
0x48: {  	_ =	shalt  }
0x49: {  	_ =	shalt  }
0x4a: {  	_ =	shalt  }
0x4b: {  	_ =	shalt  }
0x4c: {  	_ =	shalt  }
0x4d: {  	_ =	shalt  }
0x4e: {  	_ =	shalt  }
0x4f: {  	_ =	shalt  }
0x50: {  	_ =	shalt  }
0x51: {  	_ =	shalt  }
0x52: {  	_ =	shalt  }
0x53: {  	_ =	shalt  }
0x54: {  	_ =	shalt  }
0x55: {  	_ =	shalt  }
0x56: {  	_ =	shalt  }
0x57: {  	_ =	shalt  }
0x58: {  	_ =	shalt  }
0x59: {  	_ =	shalt  }
0x5a: {  	_ =	shalt  }
0x5b: {  	_ =	shalt  }
0x5c: {  	_ =	shalt  }
0x5d: {  	_ =	shalt  }
0x5e: {  	_ =	shalt  }
0x5f: {  	_ =	shalt  }
0x60: {  	_ =	shalt  }
0x61: {  	_ =	shalt  }
0x62: {  	_ =	shalt  }
0x63: {  	_ =	shalt  }
0x64: {  	_ =	shalt  }
0x65: {  	_ =	shalt  }
0x66: {  	_ =	shalt  }
0x67: {  	_ =	shalt  }
0x68: {  	_ =	shalt  }
0x69: {  	_ =	shalt  }
0x6a: {  	_ =	shalt  }
0x6b: {  	_ =	shalt  }
0x6c: {  	_ =	shalt  }
0x6d: {  	_ =	shalt  }
0x6e: {  	_ =	shalt  }
0x6f: {  	_ =	shalt  }
0x70: {  	_ =	shalt  }
0x71: {  	_ =	shalt  }
0x72: {  	_ =	shalt  }
0x73: {  	_ =	shalt  }
0x74: {  	_ =	shalt  }
0x75: {  	_ =	shalt  }
0x76: {  	_ =	shalt  }
0x77: {  	_ =	shalt  }
0x78: {  	_ =	shalt  }
0x79: {  	_ =	shalt  }
0x7a: {  	_ =	shalt  }
0x7b: {  	_ =	shalt  }
0x7c: {  	_ =	shalt  }
0x7d: {  	_ =	shalt  }
0x7e: {  	_ =	shalt  }
0x7f: {  	_ =	shalt  }
0x80: {  	_ =	shalt  }
0x81: {  	_ =	shalt  }
0x82: {  	_ =	shalt  }
0x83: {  	_ =	shalt  }
0x84: {  	_ =	shalt  }
0x85: {  	_ =	shalt  }
0x86: {  	_ =	shalt  }
0x87: {  	_ =	shalt  }
.Lfunc_end0:
.L_simem_size_0:
called_computation_lowered:
.L_overlay_start_0:
0x88: {  	s2 =	sld [smem:$0x3FD9]  }
0x89: {  	s3 =	sld [smem:$0x3FFE];
	_ =	sdelay $0x1  }
0x8a: {  	s1 =	srdreg.scid  }
0x8b: {  	s0 =	sand.u32 $0x1, s1  }
0x8c: {  	s17 =	sshll.u32 s0, $0xA;
	s2 =	sadd.s32 s3, s2  }
0x8d: {  	s2 =	sadd.s32 s2, s17  }
0x8e: {  	[smem:$0x3FC6] =	sst s2  }
0x8f: {  	_ = 	snop  }
0x90: {  	s2 =	sld [smem:$0x3FC9]  }
0x91: {  	s18 =	sld [smem:$0x3FD0];
	(tm) =	ssettm $0x1  }
0x92: {  	s4 =	sld [smem:$0x3FFB];
	_ =	sdelay $0x3  }
0x93: {  	_ =	strace s4  }
0x94: {  	s4 =	sld [smem:$0x3FFC];
	_ =	sdelay $0x3  }
0x95: {  	_ =	strace s4  }
0x96: {  	s4 =	sld [smem:$0x3FFD];
	_ =	sdelay $0x3  }
0x97: {  	_ =	strace s4  }
0x98: {  	_ =	strace $0x8FFFFFFF  }
0x99: {  	s19 =	sld [smem:$0x3FDB];
	_ =	sdelay $0x1  }
0x9a: {  	s5 =	simm.s32 $_scs_section_size  }
0x9b: {  	s6 =	simm.s32 $_size__tile_overlayer_lowered;
	s7 =	simm.s32 $_tile_overlayer_lowered  }
0x9c: {  	s22 =	simm.s32 $0x1BFF;
	s21 =	sshll.u32 s7, $0x1;
	s4 =	sadd.s32 s5, s19  }
0x9d: {  	s8 =	simm.s32 $0x0;
	s20 =	sshll.u32 s6, $0x1;
	s6 =	sadd.s32 s21, s4  }
0x9e: {  	[timem:s8], [sflag:s22] =	dma.local [hbm:s6], s20  }
0x9f: {  	_ =	swait.ge [sflag:s22], s20  }
0xa0: {  	s5 =	ssub.s32 $0x0, s20;
	[sflag:s22] =	ssyncset.done $0x0  }
0xa1: {  	[sflag:s22] =	ssyncadd.s32 s5;
	_ =	sdelay $0x1  }
0xa2: {  	s23 =	simm.s32 $0x1B8B  }
0xa3: {  	_ =	swait.ge [sflag:s23], $0x1  }
0xa4: {  	[sflag:s23] =	ssyncset.done $0x0  }
0xa5: {  	s25 =	simm.s32 $0x1B8E;
	s24 =	sld [smem:$0x3FFE];
	[sflag:s23] =	ssyncadd.s32 $0xFFFFFFFF  }
0xa6: {  	s26 =	simm.s32 $execute0_lowered;
	[smem:$0x3FD2] =	sst s25  }
0xa7: {  	s6 =	sshll.u32 s26, $0x1;
	_ =	strace $0x80000046;
	[dreg:$0x1] =	wrdreg $0xFFFFFFFF  }
0xa8: {  	s28 =	simm.s32 $_size_execute0_lowered;
	s4 =	sadd.s32 s4, s6;
	[dreg:$0x0] =	wrdreg $0x0  }
0xa9: {  	s6 =	sshll.u32 s28, $0x1;
	[dreg:$0x2] =	wrdreg s4  }
0xaa: {  	[dreg:$0x3] =	wrdreg s6  }
0xab: {  	[dreg:$0x4] =	wrdreg $0xC0  }
0xac: {  	_ =	task [dreg:s8], $0x5FFFF  }
0xad: {  	[dreg:$0x1] =	wrdreg $0xFFFFFFFF  }
0xae: {  	[dreg:$0x0] =	wrdreg $0x60  }
0xaf: {  	[dreg:$0x2] =	wrdreg s2  }
0xb0: {  	[dreg:$0x3] =	wrdreg s24  }
0xb1: {  	[dreg:$0x4] =	wrdreg s18  }
0xb2: {  	[dreg:$0x5] =	wrdreg $0x9  }
0xb3: {  	_ =	task.clear_ibuf [dreg:s8], $0x6FFFF;
	_ =	strace $0x90000046  }
0xb4: {  	s29 =	simm.s32 $0x9;
	_ =	strace $0x80000048  }
0xb5: {  	_ =	swait.ge [sflag:s29], $0x1  }
0xb6: {  	[sflag:s29] =	ssyncadd.s32 $0xFFFFFFFF  }
0xb7: {  	_ =	strace $0x90000048  }
0xb8: {  	_ =	sfence  }
0xb9: {  	s30 =	sld [smem:$0x0];
	_ =	sdelay $0x2  }
0xba: {  	s31 =	sshll.u32 s1, $0xD;
	s1 =	sshrl.u32 s1, $0x2  }
0xbb: {  	s3 =	sand.u32 $0x4000, s31;
	s1 =	sadd.s32 s1, s30  }
0xbc: {  	s0 =	sor.u32 s3, s0;
	s1 =	sshll.u32 s1, $0x11  }
0xbd: {  	s0 =	sor.u32 s1, s0  }
0xbe: {  	s0 =	sadd.s32 $0x8F2B, s0  }
0xbf: {  	[sflag:s0] =	ssyncadd.remote.s32 $0x1  }
0xc0: {  	_ =	sfence.sel $0xFFFF  }
0xc1: {  	[dreg:$0x0] =	wrdreg $0xFFFFFFFF;
	(pc) =	sbr.abs _section_cstart, $3  }
0xc2: {  	[dreg:$0x1] =	wrdreg $0xFFFFFFFF  }
0xc3: {  	_ =	task.clear_ibuf [dreg:s8], $0x2FFFF;
	_ =	strace $0x9FFFFFFF  }
0xc4: {  	(tm) =	ssettm $0x7FFFFFFF  }
0xc5: {  	_ =	shalt  }
tec
execute0_lowered:
.L_overlay_start_1:
0x0: {  	(tag) =	ssettag $0x1  }
0x1: {  	s9 =	rddreg [dreg:$0x0]  }
0x2: {  	s3 =	rddreg [dreg:$0x1]  }
0x3: {  	s11 =	rddreg [dreg:$0x2]  }
0x4: {  	s0 =	rddreg [dreg:$0x3];
	s4 =	srdreg.scid  }
0x5: {  	s2 =	simm.s32 $0x0;
	s1 =	stileid.u32;
	s15 =	simm.s32 $0x2400  }
0x6: {  	s16 =	simm.s32 $0x1;
	s17 =	simm.s32 $0x4400;
	s18 =	simm.s32 $0x2  }
0x7: {  	s19 =	simm.s32 $0xC400;
	s20 =	simm.s32 $0x14400;
	s21 =	simm.s32 $0x3  }
0x8: {  	s22 =	simm.s32 $0x4;
	s23 =	simm.s32 $0x5;
	s24 =	simm.s32 $0x0  }
0x9: {  	s4 =	sand.u32 $0x1, s4;
	[smem:$0x7FF] =	sst s2;
	s5 =	sshll.u32 s1, $0x10  }
0xa: {  	s3 =	sadd.s32 $0x400, s3;
	s6 =	sshll.u32 s4, $0xF;
	s4 =	ssub.s32 $0x2, s4  }
0xb: {  	_ =	strace $0x80000047;
	s5 =	sor.u32 s6, s5;
	s25 =	sshrl.u32 s4, $0x1  }
0xc: {  	v0 =	vimm.s32 $0x200;
	vm0 =	vcmask $0x300;
	vm1 =	vcmask $0x704;
	s7 =	sshrl.u32 s5, $0x7;
	s12 =	ssub.s32 s4, s25;
	s26 =	sshrl.u32 s5, $0x3  }
0xd: {  	vm2 =	vcmask $0xB08;
	vm3 =	vcmask $0xF0C;
	v1 =	vimm.s32 $0x201;
	s10 =	sshrl.u32 s5, $0x1;
	s8 =	sor.u32 $0x40, s7;
	s4 =	sadd.s32 s9, s26  }
0xe: {  	v2 =	vimm.s32 $0x202;
	v3 =	vimm.s32 $0x203;
	v0 =	vsel vm0, $0x0, v0;
	s6 =	sadd.s32 s11, s10;
	s29 =	sor.u32 $0x80, s7;
	s14 =	sor.u32 $0xC0, s7  }
0xf: {  	v1 =	vsel vm0, $0x1, v1;
	v2 =	vsel vm0, $0x2, v2;
	v3 =	vsel vm0, $0x3, v3;
	s12 =	smax.u32 s12, $0x1;
	s28 =	sshll.u32 s8, $0x4;
	s13 =	sshll.u32 s29, $0x4  }
0x10: {  	v0 =	vsel vm1, $0x80, v0;
	v1 =	vsel vm1, $0x81, v1;
	v2 =	vsel vm1, $0x82, v2;
	s8 =	sshll.u32 s8, $0x6;
	s30 =	sshll.u32 s14, $0x4;
	s10 =	sshll.u32 s29, $0x6  }
0x11: {  	v3 =	vsel vm1, $0x83, v3;
	v0 =	vsel vm2, $0x100, v0;
	v1 =	vsel vm2, $0x101, v1;
	s31 =	sshll.u32 s14, $0x6;
	s14 =	simm.s32 $0x400;
	s5 =	sadd.s32 s9, s28  }
0x12: {  	v2 =	vsel vm2, $0x102, v2;
	v3 =	vsel vm2, $0x103, v3;
	v0 =	vsel vm3, $0x180, v0;
	s7 =	sadd.s32 s9, s13;
	s8 =	sadd.s32 s11, s8;
	s9 =	sadd.s32 s9, s30  }
0x13: {  	v1 =	vsel vm3, $0x181, v1;
	v2 =	vsel vm3, $0x182, v2;
	v3 =	vsel vm3, $0x183, v3;
	s10 =	sadd.s32 s11, s10;
	s11 =	sadd.s32 s11, s31;
	s13 =	simm.s32 $0x6  }
.LBB2_1:
0x14: {  	[tilespmem:s2], [sflag:$0x6] =	stream.linear.gather [hbm4b:s3+s2], $0x280, $0x38;
	[tilespmem:$0x1C400] =	vst v63  }
0x15: {  	_ =	swait.ge [sflag:s13], $0x280  }
0x16: {  	[sflag:s13] =	ssyncset.done $0x0  }
0x17: {  	[sflag:s13] =	ssyncadd.s32 $0xFFFFFD80  }
0x18: {  	v4 =	vld.idx.msk [tilespmem:v0+s2+$0x0], $0xffff  }
0x19: {  	v5 =	vld.idx.msk [tilespmem:v1+s2+$0x0], $0xffff  }
0x1a: {  	v6 =	vld.idx.msk [tilespmem:v2+s2+$0x0], $0xffff  }
0x1b: {  	v7 =	vld.idx.msk [tilespmem:v3+s2+$0x0], $0xffff;
	[tilespmem:s14], [sflag:$0x1] =	stream.linear.gather [hbm4b:s4+s2], $0x2000, $0x38  }
0x1c: {  	_ = 	snop  }
0x1d: {  	[tilespmem:s15], [sflag:$0x2] =	stream.linear.gather [hbm4b:s5+s2], $0x2000, $0x38;
	[tilespmem:$0x1C400] =	vst v63  }
0x1e: {  	_ =	swait.ge [sflag:s16], $0x2000  }
0x1f: {  	[sflag:s16] =	ssyncset.done $0x0  }
0x20: {  	s26 =	simm.s32 $0x480;
	[sflag:s16] =	ssyncadd.s32 $0xFFFFE000  }
0x21: {  	v8 =	vld [tilespmem:s26+$0x70]  }
0x22: {  	v9 =	vld [tilespmem:s26+$0xFFFFFF90]  }
0x23: {  	v10 =	vld [tilespmem:s26+$0xFFFFFF80];
	_ =	sdelay $0x2  }
0x24: {  	v11 =	vshrl.u32 v8, $0x1B  }
0x25: {  	v12 =	vshrl.u32 v9, $0x1B;
	v11 =	vand.u32 $0x10, v11  }
0x26: {  	v12 =	vand.u32 $0x10, v12;
	v8 =	vadd.s32 v8, v11;
	v11 =	vshrl.u32 v10, $0x1B  }
0x27: {  	v9 =	vadd.s32 v9, v12;
	v13 =	vperm.xlane v7, v8;
	v11 =	vand.u32 $0x10, v11  }
0x28: {  	s25 =	simm.s32 $0x4600;
	v12 =	vld [tilespmem:s26+$0xFFFFFFA0];
	v10 =	vadd.s32 v10, v11;
	v11 =	vperm.xlane v4, v9  }
0x29: {  	[tilespmem:s25+$0x1F0] =	vst v13;
	v13 =	vperm.xlane v4, v10  }
0x2a: {  	v14 =	vperm.xlane v5, v10;
	[tilespmem:s25+$0xFFFFFE10] =	vst v11  }
0x2b: {  	v11 =	vperm.xlane v6, v10;
	[tilespmem:s25+$0xFFFFFE00] =	vst v13  }
0x2c: {  	v10 =	vperm.xlane v7, v10;
	v13 =	vld [tilespmem:s26+$0xFFFFFFB0];
	[tilespmem:s25+$0xFFFFFE80] =	vst v14  }
0x2d: {  	v15 =	vperm.xlane v5, v9;
	v14 =	vshrl.u32 v12, $0x1B;
	[tilespmem:s25+$0xFFFFFF00] =	vst v11  }
0x2e: {  	v11 =	vand.u32 $0x10, v14;
	v14 =	vperm.xlane v6, v9;
	[tilespmem:s25+$0xFFFFFF80] =	vst v10;
	v10 =	vld [tilespmem:s26+$0xFFFFFFC0]  }
0x2f: {  	[tilespmem:s25+$0xFFFFFE90] =	vst v15;
	v9 =	vperm.xlane v7, v9;
	v11 =	vadd.s32 v12, v11;
	v12 =	vld [tilespmem:s26+$0xFFFFFFD0]  }
0x30: {  	v15 =	vperm.xlane v4, v11;
	[tilespmem:s25+$0xFFFFFF10] =	vst v14  }
0x31: {  	v16 =	vperm.xlane v5, v11;
	[tilespmem:s25+$0xFFFFFF90] =	vst v9;
	v9 =	vld [tilespmem:s26+$0xFFFFFFE0];
	v14 =	vshrl.u32 v13, $0x1B  }
0x32: {  	v17 =	vperm.xlane v6, v11;
	[tilespmem:s25+$0xFFFFFE20] =	vst v15;
	v15 =	vld [tilespmem:s26+$0xFFFFFFF0];
	v14 =	vand.u32 $0x10, v14  }
0x33: {  	v11 =	vperm.xlane v7, v11;
	[tilespmem:s25+$0xFFFFFEA0] =	vst v16;
	v16 =	vld [tilespmem:s26+$0x0];
	v13 =	vadd.s32 v13, v14  }
0x34: {  	[tilespmem:s25+$0xFFFFFF20] =	vst v17;
	v17 =	vshrl.u32 v10, $0x1B;
	v18 =	vshrl.u32 v12, $0x1B;
	v14 =	vperm.xlane v4, v13  }
0x35: {  	[tilespmem:s25+$0xFFFFFFA0] =	vst v11;
	v11 =	vld [tilespmem:s26+$0x10];
	v17 =	vand.u32 $0x10, v17;
	v19 =	vperm.xlane v5, v13;
	v18 =	vand.u32 $0x10, v18  }
0x36: {  	v20 =	vperm.xlane v6, v13;
	v10 =	vadd.s32 v10, v17;
	v13 =	vperm.xlane v7, v13;
	[tilespmem:s25+$0xFFFFFE30] =	vst v14  }
0x37: {  	v21 =	vperm.xlane v4, v10;
	v12 =	vadd.s32 v12, v18;
	v14 =	vshrl.u32 v9, $0x1B;
	[tilespmem:s25+$0xFFFFFEB0] =	vst v19  }
0x38: {  	v19 =	vshrl.u32 v15, $0x1B;
	[tilespmem:s25+$0xFFFFFFB0] =	vst v13;
	v13 =	vshrl.u32 v16, $0x1B;
	v22 =	vperm.xlane v6, v12  }
0x39: {  	[tilespmem:s25+$0xFFFFFF30] =	vst v20;
	v14 =	vand.u32 $0x10, v14;
	v18 =	vand.u32 $0x10, v19;
	v19 =	vperm.xlane v5, v10  }
0x3a: {  	[tilespmem:s25+$0xFFFFFE40] =	vst v21;
	v13 =	vand.u32 $0x10, v13;
	v21 =	vshrl.u32 v11, $0x1B;
	v9 =	vadd.s32 v9, v14  }
0x3b: {  	v14 =	vperm.xlane v6, v10;
	v10 =	vperm.xlane v7, v10;
	v15 =	vadd.s32 v15, v18;
	[tilespmem:s25+$0xFFFFFF50] =	vst v22  }
0x3c: {  	v18 =	vand.u32 $0x10, v21;
	v21 =	vperm.xlane v5, v12;
	[tilespmem:s25+$0xFFFFFEC0] =	vst v19;
	v19 =	vperm.xlane v4, v12  }
0x3d: {  	v17 =	vld [tilespmem:s26+$0x20];
	v13 =	vadd.s32 v16, v13;
	v12 =	vperm.xlane v7, v12;
	v16 =	vperm.xlane v4, v9;
	[tilespmem:s25+$0xFFFFFF40] =	vst v14  }
0x3e: {  	v20 =	vld [tilespmem:s26+$0x30];
	v23 =	vperm.xlane v6, v9;
	v24 =	vperm.xlane v4, v15;
	[tilespmem:s25+$0xFFFFFFC0] =	vst v10  }
0x3f: {  	v11 =	vadd.s32 v11, v18;
	v18 =	vperm.xlane v5, v15;
	v25 =	vperm.xlane v6, v15;
	[tilespmem:s25+$0xFFFFFED0] =	vst v21  }
0x40: {  	v15 =	vperm.xlane v7, v15;
	v32 =	vperm.xlane v5, v13;
	[tilespmem:s25+$0xFFFFFE50] =	vst v19  }
0x41: {  	v22 =	vld [tilespmem:s26+$0x50];
	v33 =	vperm.xlane v6, v13;
	v34 =	vperm.xlane v4, v11;
	[tilespmem:s25+$0xFFFFFFD0] =	vst v12  }
0x42: {  	v14 =	vshrl.u32 v17, $0x1B;
	v35 =	vperm.xlane v5, v11;
	v36 =	vperm.xlane v6, v11;
	[tilespmem:s25+$0xFFFFFE60] =	vst v16  }
0x43: {  	v37 =	vperm.xlane v7, v11;
	v14 =	vand.u32 $0x10, v14;
	v21 =	vshrl.u32 v20, $0x1B;
	[tilespmem:s25+$0xFFFFFF60] =	vst v23  }
0x44: {  	v10 =	vld [tilespmem:s26+$0x40];
	v19 =	vperm.xlane v5, v9;
	v9 =	vperm.xlane v7, v9;
	[tilespmem:s25+$0xFFFFFE70] =	vst v24;
	v12 =	vand.u32 $0x10, v21  }
0x45: {  	[tilespmem:s25+$0xFFFFFEF0] =	vst v18;
	v21 =	vperm.xlane v4, v13;
	v14 =	vadd.s32 v17, v14;
	v13 =	vperm.xlane v7, v13  }
0x46: {  	[tilespmem:s25+$0xFFFFFFE0] =	vst v9;
	v9 =	vshrl.u32 v22, $0x1B;
	v31 =	vperm.xlane v4, v14;
	v27 =	vperm.xlane v5, v14  }
0x47: {  	[tilespmem:s25+$0xFFFFFF70] =	vst v25;
	v17 =	vld [tilespmem:s26+$0x60];
	v11 =	vadd.s32 v20, v12;
	v28 =	vperm.xlane v6, v14;
	v29 =	vperm.xlane v7, v14  }
0x48: {  	[tilespmem:s25+$0xFFFFFFF0] =	vst v15;
	v9 =	vand.u32 $0x10, v9;
	v30 =	vperm.xlane v4, v11;
	v26 =	vperm.xlane v5, v11  }
0x49: {  	[tilespmem:s25+$0x80] =	vst v32;
	v25 =	vperm.xlane v6, v11;
	v16 =	vshrl.u32 v10, $0x1B;
	v9 =	vadd.s32 v22, v9  }
0x4a: {  	[tilespmem:s25+$0xFFFFFEE0] =	vst v19;
	v24 =	vperm.xlane v7, v11;
	v16 =	vand.u32 $0x10, v16;
	v19 =	vperm.xlane v4, v9  }
0x4b: {  	[tilespmem:s25+$0x100] =	vst v33;
	v18 =	vperm.xlane v5, v9;
	v10 =	vadd.s32 v10, v16;
	v16 =	vperm.xlane v7, v9  }
0x4c: {  	[tilespmem:s25+$0x10] =	vst v34;
	v12 =	vshrl.u32 v17, $0x1B;
	v23 =	vperm.xlane v4, v10;
	v22 =	vperm.xlane v5, v10  }
0x4d: {  	[tilespmem:s25+$0x0] =	vst v21;
	v21 =	vperm.xlane v6, v10;
	v11 =	vand.u32 $0x10, v12;
	v20 =	vperm.xlane v7, v10  }
0x4e: {  	[tilespmem:s25+$0x90] =	vst v35;
	v10 =	vadd.s32 v17, v11;
	v17 =	vperm.xlane v6, v9;
	v11 =	vperm.xlane v4, v8  }
0x4f: {  	[tilespmem:s25+$0x110] =	vst v36;
	v9 =	vperm.xlane v6, v8;
	v15 =	vperm.xlane v4, v10  }
0x50: {  	[tilespmem:s25+$0x180] =	vst v13;
	v14 =	vperm.xlane v5, v10;
	v13 =	vperm.xlane v6, v10  }
0x51: {  	s28 =	simm.s32 $0x0;
	s29 =	simm.s32 $0x580;
	[tilespmem:s25+$0x190] =	vst v37;
	s26 =	simm.s32 $0x4600;
	v12 =	vperm.xlane v7, v10;
	v10 =	vperm.xlane v5, v8  }
.LBB2_2:
0x52: {  	v8 =	vld [tilespmem:s29+$0x70];
	s28 =	sadd.s32 $0x100, s28;
	[tilespmem:s25+$0x20] =	vst v31  }
0x53: {  	v31 =	vld [tilespmem:s29+$0xFFFFFF90];
	p0 =	slt.u32 s28, $0x1F00;
	[tilespmem:s25+$0xA0] =	vst v27  }
0x54: {  	v27 =	vld [tilespmem:s29+$0xFFFFFFA0];
	[tilespmem:s25+$0x120] =	vst v28  }
0x55: {  	v28 =	vld [tilespmem:s29+$0xFFFFFFB0];
	[tilespmem:s25+$0x1A0] =	vst v29  }
0x56: {  	v29 =	vld [tilespmem:s29+$0xFFFFFFC0];
	[tilespmem:s25+$0x30] =	vst v30  }
0x57: {  	v30 =	vld [tilespmem:s29+$0xFFFFFFD0];
	v32 =	vshrl.u32 v8, $0x1B;
	[tilespmem:s25+$0xB0] =	vst v26  }
0x58: {  	v26 =	vshrl.u32 v31, $0x1B;
	v33 =	vld [tilespmem:s29+$0xFFFFFFE0];
	v32 =	vand.u32 $0x10, v32;
	[tilespmem:s25+$0x130] =	vst v25  }
0x59: {  	v25 =	vand.u32 $0x10, v26;
	v26 =	vshrl.u32 v27, $0x1B;
	v34 =	vld [tilespmem:s29+$0xFFFFFFF0];
	v8 =	vadd.s32 v8, v32;
	[tilespmem:s25+$0x1B0] =	vst v24  }
0x5a: {  	v24 =	vand.u32 $0x10, v26;
	v26 =	vshrl.u32 v28, $0x1B;
	v32 =	vld [tilespmem:s29+$0x0];
	v35 =	vperm.xlane v7, v8;
	[tilespmem:s25+$0x40] =	vst v23  }
0x5b: {  	v23 =	vadd.s32 v31, v25;
	s25 =	sadd.s32 $0x400, s25;
	v25 =	vand.u32 $0x10, v26;
	v26 =	vshrl.u32 v29, $0x1B;
	v31 =	vld [tilespmem:s29+$0x10];
	[tilespmem:s26+$0xC0] =	vst v22  }
0x5c: {  	v22 =	vadd.s32 v27, v24;
	v24 =	vand.u32 $0x10, v26;
	v26 =	vshrl.u32 v30, $0x1B;
	v27 =	vld [tilespmem:s29+$0x20];
	[tilespmem:s25+$0x1F0] =	vst v35  }
0x5d: {  	v25 =	vadd.s32 v28, v25;
	v26 =	vand.u32 $0x10, v26;
	v28 =	vshrl.u32 v33, $0x1B;
	v35 =	vld [tilespmem:s29+$0x30];
	[tilespmem:s26+$0x140] =	vst v21  }
0x5e: {  	v21 =	vadd.s32 v29, v24;
	v24 =	vand.u32 $0x10, v28;
	v28 =	vshrl.u32 v34, $0x1B;
	v29 =	vld [tilespmem:s29+$0x40];
	[tilespmem:s26+$0x1C0] =	vst v20  }
0x5f: {  	v20 =	vadd.s32 v30, v26;
	v26 =	vand.u32 $0x10, v28;
	v28 =	vshrl.u32 v32, $0x1B;
	v30 =	vld [tilespmem:s29+$0x50];
	[tilespmem:s26+$0x50] =	vst v19  }
0x60: {  	v19 =	vadd.s32 v33, v24;
	v24 =	vand.u32 $0x10, v28;
	v28 =	vshrl.u32 v31, $0x1B;
	v33 =	vld [tilespmem:s29+$0x60];
	[tilespmem:s26+$0xD0] =	vst v18  }
0x61: {  	v26 =	vadd.s32 v34, v26;
	v18 =	vld [tilespmem:s29+$0xFFFFFF80];
	v28 =	vand.u32 $0x10, v28;
	v34 =	vshrl.u32 v27, $0x1B;
	[tilespmem:s26+$0x150] =	vst v17  }
0x62: {  	v17 =	vadd.s32 v32, v24;
	v24 =	vand.u32 $0x10, v34;
	v32 =	vshrl.u32 v35, $0x1B;
	[tilespmem:s26+$0x1D0] =	vst v16  }
0x63: {  	v16 =	vadd.s32 v31, v28;
	v28 =	vand.u32 $0x10, v32;
	v31 =	vshrl.u32 v29, $0x1B;
	[tilespmem:s26+$0x60] =	vst v15  }
0x64: {  	v15 =	vadd.s32 v27, v24;
	v24 =	vand.u32 $0x10, v31;
	v27 =	vshrl.u32 v30, $0x1B;
	[tilespmem:s26+$0xE0] =	vst v14  }
0x65: {  	v14 =	vadd.s32 v35, v28;
	v27 =	vand.u32 $0x10, v27;
	v28 =	vshrl.u32 v33, $0x1B;
	[tilespmem:s26+$0x160] =	vst v13  }
0x66: {  	v32 =	vadd.s32 v29, v24;
	v13 =	vshrl.u32 v18, $0x1B;
	v24 =	vand.u32 $0x10, v28;
	[tilespmem:s26+$0x1E0] =	vst v12  }
0x67: {  	v12 =	vand.u32 $0x10, v13;
	v13 =	vadd.s32 v30, v27;
	v33 =	vadd.s32 v33, v24;
	[tilespmem:s26+$0x70] =	vst v11  }
0x68: {  	v11 =	vadd.s32 v18, v12;
	v12 =	vperm.xlane v4, v23;
	v18 =	vperm.xlane v5, v23;
	[tilespmem:s26+$0xF0] =	vst v10  }
0x69: {  	v10 =	vperm.xlane v4, v11;
	v24 =	vperm.xlane v5, v11;
	[tilespmem:s26+$0x170] =	vst v9;
	s26 =	smov.u32 s25  }
0x6a: {  	v9 =	vperm.xlane v6, v11;
	v11 =	vperm.xlane v7, v11;
	[tilespmem:s25+$0xFFFFFE10] =	vst v12  }
0x6b: {  	v12 =	vperm.xlane v7, v23;
	[tilespmem:s25+$0xFFFFFE00] =	vst v10;
	v10 =	vperm.xlane v6, v23  }
0x6c: {  	v23 =	vperm.xlane v4, v22;
	[tilespmem:s25+$0xFFFFFE80] =	vst v24;
	v24 =	vperm.xlane v5, v22  }
0x6d: {  	[tilespmem:s25+$0xFFFFFF00] =	vst v9;
	v9 =	vperm.xlane v6, v22;
	v22 =	vperm.xlane v7, v22  }
0x6e: {  	v27 =	vperm.xlane v5, v25;
	[tilespmem:s25+$0xFFFFFF80] =	vst v11;
	v11 =	vperm.xlane v4, v25  }
0x6f: {  	[tilespmem:s25+$0xFFFFFE90] =	vst v18;
	v18 =	vperm.xlane v6, v25;
	v25 =	vperm.xlane v7, v25  }
0x70: {  	v28 =	vperm.xlane v5, v21;
	[tilespmem:s25+$0xFFFFFF10] =	vst v10;
	v10 =	vperm.xlane v4, v21  }
0x71: {  	[tilespmem:s25+$0xFFFFFF90] =	vst v12;
	v12 =	vperm.xlane v6, v21;
	v21 =	vperm.xlane v7, v21  }
0x72: {  	v34 =	vperm.xlane v5, v20;
	[tilespmem:s25+$0xFFFFFE20] =	vst v23;
	v23 =	vperm.xlane v4, v20  }
0x73: {  	v35 =	vperm.xlane v6, v20;
	v20 =	vperm.xlane v7, v20;
	[tilespmem:s25+$0xFFFFFEA0] =	vst v24  }
0x74: {  	v36 =	vperm.xlane v5, v19;
	[tilespmem:s25+$0xFFFFFF20] =	vst v9;
	v9 =	vperm.xlane v4, v19  }
0x75: {  	v37 =	vperm.xlane v6, v19;
	v38 =	vperm.xlane v7, v19;
	[tilespmem:s25+$0xFFFFFFA0] =	vst v22  }
0x76: {  	v39 =	vperm.xlane v5, v26;
	[tilespmem:s25+$0xFFFFFE30] =	vst v11;
	v11 =	vperm.xlane v4, v26  }
0x77: {  	v40 =	vperm.xlane v6, v26;
	v41 =	vperm.xlane v7, v26;
	[tilespmem:s25+$0xFFFFFEB0] =	vst v27  }
0x78: {  	v42 =	vperm.xlane v4, v17;
	v43 =	vperm.xlane v5, v17;
	[tilespmem:s25+$0xFFFFFF30] =	vst v18  }
0x79: {  	v44 =	vperm.xlane v6, v17;
	v45 =	vperm.xlane v7, v17;
	[tilespmem:s25+$0xFFFFFFB0] =	vst v25  }
0x7a: {  	v46 =	vperm.xlane v4, v16;
	v47 =	vperm.xlane v5, v16;
	[tilespmem:s25+$0xFFFFFE40] =	vst v10  }
0x7b: {  	v48 =	vperm.xlane v6, v16;
	v49 =	vperm.xlane v7, v16;
	[tilespmem:s25+$0xFFFFFEC0] =	vst v28  }
0x7c: {  	v31 =	vperm.xlane v4, v15;
	v27 =	vperm.xlane v5, v15;
	[tilespmem:s25+$0xFFFFFF40] =	vst v12  }
0x7d: {  	v29 =	vperm.xlane v7, v15;
	v28 =	vperm.xlane v6, v15;
	[tilespmem:s25+$0xFFFFFFC0] =	vst v21  }
0x7e: {  	v30 =	vperm.xlane v4, v14;
	v26 =	vperm.xlane v5, v14;
	[tilespmem:s25+$0xFFFFFE50] =	vst v23  }
0x7f: {  	v24 =	vperm.xlane v7, v14;
	v25 =	vperm.xlane v6, v14;
	[tilespmem:s25+$0xFFFFFED0] =	vst v34  }
0x80: {  	v22 =	vperm.xlane v5, v32;
	v23 =	vperm.xlane v4, v32;
	[tilespmem:s25+$0xFFFFFF50] =	vst v35  }
0x81: {  	v21 =	vperm.xlane v6, v32;
	[tilespmem:s25+$0xFFFFFFD0] =	vst v20;
	v20 =	vperm.xlane v7, v32  }
0x82: {  	v19 =	vperm.xlane v4, v13;
	v18 =	vperm.xlane v5, v13;
	[tilespmem:s25+$0xFFFFFE60] =	vst v9  }
0x83: {  	v17 =	vperm.xlane v6, v13;
	v16 =	vperm.xlane v7, v13;
	[tilespmem:s25+$0xFFFFFEE0] =	vst v36  }
0x84: {  	v14 =	vperm.xlane v5, v33;
	v15 =	vperm.xlane v4, v33;
	[tilespmem:s25+$0xFFFFFF60] =	vst v37  }
0x85: {  	v13 =	vperm.xlane v6, v33;
	v12 =	vperm.xlane v7, v33;
	[tilespmem:s25+$0xFFFFFFE0] =	vst v38  }
0x86: {  	v10 =	vperm.xlane v5, v8;
	[tilespmem:s25+$0xFFFFFE70] =	vst v11;
	v11 =	vperm.xlane v4, v8  }
0x87: {  	v9 =	vperm.xlane v6, v8;
	[tilespmem:s25+$0xFFFFFEF0] =	vst v39  }
0x88: {  	[tilespmem:s25+$0xFFFFFF70] =	vst v40  }
0x89: {  	[tilespmem:s25+$0xFFFFFFF0] =	vst v41  }
0x8a: {  	[tilespmem:s25+$0x0] =	vst v42  }
0x8b: {  	[tilespmem:s25+$0x80] =	vst v43  }
0x8c: {  	[tilespmem:s25+$0x100] =	vst v44  }
.Ltmp0:
0x8d: {  	[tilespmem:s25+$0x180] =	vst v45;
	(pc) =	sbr.rel @p0 .LBB2_2-.Ltmp0, $4  }
0x8e: {  	[tilespmem:s25+$0x10] =	vst v46  }
0x8f: {  	[tilespmem:s25+$0x90] =	vst v47  }
0x90: {  	[tilespmem:s25+$0x110] =	vst v48  }
0x91: {  	s29 =	sadd.s32 $0x100, s29;
	[tilespmem:s25+$0x190] =	vst v49  }
0x92: {  	[tilespmem:s25+$0x20] =	vst v31  }
0x93: {  	[tilespmem:s25+$0xA0] =	vst v27  }
0x94: {  	[tilespmem:s25+$0x120] =	vst v28  }
0x95: {  	[tilespmem:s25+$0x1A0] =	vst v29  }
0x96: {  	[tilespmem:s25+$0x30] =	vst v30  }
0x97: {  	[tilespmem:s25+$0xB0] =	vst v26  }
0x98: {  	[tilespmem:s25+$0x130] =	vst v25  }
0x99: {  	[tilespmem:s25+$0x1B0] =	vst v24  }
0x9a: {  	[tilespmem:s25+$0x40] =	vst v23  }
0x9b: {  	[tilespmem:s26+$0x50] =	vst v19  }
0x9c: {  	[tilespmem:s26+$0xD0] =	vst v18  }
0x9d: {  	[tilespmem:s26+$0x150] =	vst v17  }
0x9e: {  	[tilespmem:s26+$0x1D0] =	vst v16  }
0x9f: {  	[tilespmem:s26+$0x60] =	vst v15  }
0xa0: {  	[tilespmem:s26+$0xE0] =	vst v14  }
0xa1: {  	[tilespmem:s26+$0x160] =	vst v13  }
0xa2: {  	[tilespmem:s26+$0x1E0] =	vst v12  }
0xa3: {  	[tilespmem:s26+$0x70] =	vst v11  }
0xa4: {  	[tilespmem:s26+$0xF0] =	vst v10  }
0xa5: {  	[tilespmem:s26+$0x170] =	vst v9  }
0xa6: {  	[tilespmem:s26+$0xC0] =	vst v22  }
0xa7: {  	[tilespmem:s26+$0x140] =	vst v21  }
0xa8: {  	[tilespmem:s26+$0x1C0] =	vst v20  }
0xa9: {  	[hbm4b:s6+s2] =	stream.linear.scatter [tilespmem:s17], [sflag:$0x3], $0x8000, $0x38;
	[tilespmem:$0x1C400] =	vst v63  }
0xaa: {  	_ = 	snop  }
0xab: {  	[tilespmem:s14], [sflag:$0x1] =	stream.linear.gather [hbm4b:s7+s2], $0x2000, $0x38;
	[tilespmem:$0x1C400] =	vst v63  }
0xac: {  	_ =	swait.ge [sflag:s18], $0x2000  }
0xad: {  	[sflag:s18] =	ssyncset.done $0x0  }
0xae: {  	s31 =	simm.s32 $0x2480;
	[sflag:s18] =	ssyncadd.s32 $0xFFFFE000  }
0xaf: {  	v8 =	vld [tilespmem:s31+$0x70]  }
0xb0: {  	v9 =	vld [tilespmem:s31+$0xFFFFFF90]  }
0xb1: {  	v10 =	vld [tilespmem:s31+$0xFFFFFF80];
	_ =	sdelay $0x2  }
0xb2: {  	v11 =	vshrl.u32 v8, $0x1B  }
0xb3: {  	v12 =	vshrl.u32 v9, $0x1B;
	v11 =	vand.u32 $0x10, v11  }
0xb4: {  	v12 =	vand.u32 $0x10, v12;
	v8 =	vadd.s32 v8, v11;
	v11 =	vshrl.u32 v10, $0x1B  }
0xb5: {  	v9 =	vadd.s32 v9, v12;
	v13 =	vperm.xlane v7, v8;
	v11 =	vand.u32 $0x10, v11  }
0xb6: {  	s25 =	simm.s32 $0xC600;
	v12 =	vld [tilespmem:s31+$0xFFFFFFA0];
	v10 =	vadd.s32 v10, v11;
	v11 =	vperm.xlane v4, v9  }
0xb7: {  	[tilespmem:s25+$0x1F0] =	vst v13;
	v13 =	vperm.xlane v4, v10  }
0xb8: {  	v14 =	vperm.xlane v5, v10;
	[tilespmem:s25+$0xFFFFFE10] =	vst v11  }
0xb9: {  	v11 =	vperm.xlane v6, v10;
	[tilespmem:s25+$0xFFFFFE00] =	vst v13  }
0xba: {  	v10 =	vperm.xlane v7, v10;
	v13 =	vld [tilespmem:s31+$0xFFFFFFB0];
	[tilespmem:s25+$0xFFFFFE80] =	vst v14  }
0xbb: {  	v15 =	vperm.xlane v5, v9;
	v14 =	vshrl.u32 v12, $0x1B;
	[tilespmem:s25+$0xFFFFFF00] =	vst v11  }
0xbc: {  	v11 =	vand.u32 $0x10, v14;
	v14 =	vperm.xlane v6, v9;
	[tilespmem:s25+$0xFFFFFF80] =	vst v10;
	v10 =	vld [tilespmem:s31+$0xFFFFFFC0]  }
0xbd: {  	[tilespmem:s25+$0xFFFFFE90] =	vst v15;
	v9 =	vperm.xlane v7, v9;
	v11 =	vadd.s32 v12, v11;
	v12 =	vld [tilespmem:s31+$0xFFFFFFD0]  }
0xbe: {  	v15 =	vperm.xlane v4, v11;
	[tilespmem:s25+$0xFFFFFF10] =	vst v14  }
0xbf: {  	v16 =	vperm.xlane v5, v11;
	[tilespmem:s25+$0xFFFFFF90] =	vst v9;
	v9 =	vld [tilespmem:s31+$0xFFFFFFE0];
	v14 =	vshrl.u32 v13, $0x1B  }
0xc0: {  	v17 =	vperm.xlane v6, v11;
	[tilespmem:s25+$0xFFFFFE20] =	vst v15;
	v15 =	vld [tilespmem:s31+$0xFFFFFFF0];
	v14 =	vand.u32 $0x10, v14  }
0xc1: {  	v11 =	vperm.xlane v7, v11;
	[tilespmem:s25+$0xFFFFFEA0] =	vst v16;
	v16 =	vld [tilespmem:s31+$0x0];
	v13 =	vadd.s32 v13, v14  }
0xc2: {  	[tilespmem:s25+$0xFFFFFF20] =	vst v17;
	v17 =	vshrl.u32 v10, $0x1B;
	v18 =	vshrl.u32 v12, $0x1B;
	v14 =	vperm.xlane v4, v13  }
0xc3: {  	[tilespmem:s25+$0xFFFFFFA0] =	vst v11;
	v11 =	vld [tilespmem:s31+$0x10];
	v17 =	vand.u32 $0x10, v17;
	v19 =	vperm.xlane v5, v13;
	v18 =	vand.u32 $0x10, v18  }
0xc4: {  	v20 =	vperm.xlane v6, v13;
	v10 =	vadd.s32 v10, v17;
	v13 =	vperm.xlane v7, v13;
	[tilespmem:s25+$0xFFFFFE30] =	vst v14  }
0xc5: {  	v21 =	vperm.xlane v4, v10;
	v12 =	vadd.s32 v12, v18;
	v14 =	vshrl.u32 v9, $0x1B;
	[tilespmem:s25+$0xFFFFFEB0] =	vst v19  }
0xc6: {  	v19 =	vshrl.u32 v15, $0x1B;
	[tilespmem:s25+$0xFFFFFFB0] =	vst v13;
	v13 =	vshrl.u32 v16, $0x1B;
	v22 =	vperm.xlane v6, v12  }
0xc7: {  	[tilespmem:s25+$0xFFFFFF30] =	vst v20;
	v14 =	vand.u32 $0x10, v14;
	v18 =	vand.u32 $0x10, v19;
	v19 =	vperm.xlane v5, v10  }
0xc8: {  	[tilespmem:s25+$0xFFFFFE40] =	vst v21;
	v13 =	vand.u32 $0x10, v13;
	v21 =	vshrl.u32 v11, $0x1B;
	v9 =	vadd.s32 v9, v14  }
0xc9: {  	v14 =	vperm.xlane v6, v10;
	v10 =	vperm.xlane v7, v10;
	v15 =	vadd.s32 v15, v18;
	[tilespmem:s25+$0xFFFFFF50] =	vst v22  }
0xca: {  	v18 =	vand.u32 $0x10, v21;
	v21 =	vperm.xlane v5, v12;
	[tilespmem:s25+$0xFFFFFEC0] =	vst v19;
	v19 =	vperm.xlane v4, v12  }
0xcb: {  	v17 =	vld [tilespmem:s31+$0x20];
	v13 =	vadd.s32 v16, v13;
	v12 =	vperm.xlane v7, v12;
	v16 =	vperm.xlane v4, v9;
	[tilespmem:s25+$0xFFFFFF40] =	vst v14  }
0xcc: {  	v20 =	vld [tilespmem:s31+$0x30];
	v23 =	vperm.xlane v6, v9;
	v24 =	vperm.xlane v4, v15;
	[tilespmem:s25+$0xFFFFFFC0] =	vst v10  }
0xcd: {  	v11 =	vadd.s32 v11, v18;
	v18 =	vperm.xlane v5, v15;
	v25 =	vperm.xlane v6, v15;
	[tilespmem:s25+$0xFFFFFED0] =	vst v21  }
0xce: {  	v15 =	vperm.xlane v7, v15;
	v32 =	vperm.xlane v5, v13;
	[tilespmem:s25+$0xFFFFFE50] =	vst v19  }
0xcf: {  	v22 =	vld [tilespmem:s31+$0x50];
	v33 =	vperm.xlane v6, v13;
	v34 =	vperm.xlane v4, v11;
	[tilespmem:s25+$0xFFFFFFD0] =	vst v12  }
0xd0: {  	v14 =	vshrl.u32 v17, $0x1B;
	v35 =	vperm.xlane v5, v11;
	v36 =	vperm.xlane v6, v11;
	[tilespmem:s25+$0xFFFFFE60] =	vst v16  }
0xd1: {  	v37 =	vperm.xlane v7, v11;
	v14 =	vand.u32 $0x10, v14;
	v21 =	vshrl.u32 v20, $0x1B;
	[tilespmem:s25+$0xFFFFFF60] =	vst v23  }
0xd2: {  	v10 =	vld [tilespmem:s31+$0x40];
	v19 =	vperm.xlane v5, v9;
	v9 =	vperm.xlane v7, v9;
	[tilespmem:s25+$0xFFFFFE70] =	vst v24;
	v12 =	vand.u32 $0x10, v21  }
0xd3: {  	[tilespmem:s25+$0xFFFFFEF0] =	vst v18;
	v21 =	vperm.xlane v4, v13;
	v14 =	vadd.s32 v17, v14;
	v13 =	vperm.xlane v7, v13  }
0xd4: {  	[tilespmem:s25+$0xFFFFFFE0] =	vst v9;
	v9 =	vshrl.u32 v22, $0x1B;
	v31 =	vperm.xlane v4, v14;
	v27 =	vperm.xlane v5, v14  }
0xd5: {  	[tilespmem:s25+$0xFFFFFF70] =	vst v25;
	v17 =	vld [tilespmem:s31+$0x60];
	v11 =	vadd.s32 v20, v12;
	v28 =	vperm.xlane v6, v14;
	v29 =	vperm.xlane v7, v14  }
0xd6: {  	[tilespmem:s25+$0xFFFFFFF0] =	vst v15;
	v9 =	vand.u32 $0x10, v9;
	v30 =	vperm.xlane v4, v11;
	v26 =	vperm.xlane v5, v11  }
0xd7: {  	[tilespmem:s25+$0x80] =	vst v32;
	v25 =	vperm.xlane v6, v11;
	v16 =	vshrl.u32 v10, $0x1B;
	v9 =	vadd.s32 v22, v9  }
0xd8: {  	[tilespmem:s25+$0xFFFFFEE0] =	vst v19;
	v24 =	vperm.xlane v7, v11;
	v16 =	vand.u32 $0x10, v16;
	v19 =	vperm.xlane v4, v9  }
0xd9: {  	[tilespmem:s25+$0x100] =	vst v33;
	v18 =	vperm.xlane v5, v9;
	v10 =	vadd.s32 v10, v16;
	v16 =	vperm.xlane v7, v9  }
0xda: {  	[tilespmem:s25+$0x10] =	vst v34;
	v12 =	vshrl.u32 v17, $0x1B;
	v23 =	vperm.xlane v4, v10;
	v22 =	vperm.xlane v5, v10  }
0xdb: {  	[tilespmem:s25+$0x0] =	vst v21;
	v21 =	vperm.xlane v6, v10;
	v11 =	vand.u32 $0x10, v12;
	v20 =	vperm.xlane v7, v10  }
0xdc: {  	[tilespmem:s25+$0x90] =	vst v35;
	v10 =	vadd.s32 v17, v11;
	v17 =	vperm.xlane v6, v9;
	v11 =	vperm.xlane v4, v8  }
0xdd: {  	[tilespmem:s25+$0x110] =	vst v36;
	v9 =	vperm.xlane v6, v8;
	v15 =	vperm.xlane v4, v10  }
0xde: {  	[tilespmem:s25+$0x180] =	vst v13;
	v14 =	vperm.xlane v5, v10;
	v13 =	vperm.xlane v6, v10  }
0xdf: {  	s28 =	simm.s32 $0x0;
	s29 =	simm.s32 $0x2580;
	s26 =	simm.s32 $0xC600;
	[tilespmem:s25+$0x190] =	vst v37;
	v12 =	vperm.xlane v7, v10;
	v10 =	vperm.xlane v5, v8  }
.LBB2_4:
0xe0: {  	v8 =	vld [tilespmem:s29+$0x70];
	s28 =	sadd.s32 $0x100, s28;
	[tilespmem:s25+$0x20] =	vst v31  }
0xe1: {  	v31 =	vld [tilespmem:s29+$0xFFFFFF90];
	p0 =	slt.u32 s28, $0x1F00;
	[tilespmem:s25+$0xA0] =	vst v27  }
0xe2: {  	v27 =	vld [tilespmem:s29+$0xFFFFFFA0];
	[tilespmem:s25+$0x120] =	vst v28  }
0xe3: {  	v28 =	vld [tilespmem:s29+$0xFFFFFFB0];
	[tilespmem:s25+$0x1A0] =	vst v29  }
0xe4: {  	v29 =	vld [tilespmem:s29+$0xFFFFFFC0];
	[tilespmem:s25+$0x30] =	vst v30  }
0xe5: {  	v30 =	vld [tilespmem:s29+$0xFFFFFFD0];
	v32 =	vshrl.u32 v8, $0x1B;
	[tilespmem:s25+$0xB0] =	vst v26  }
0xe6: {  	v26 =	vshrl.u32 v31, $0x1B;
	v33 =	vld [tilespmem:s29+$0xFFFFFFE0];
	v32 =	vand.u32 $0x10, v32;
	[tilespmem:s25+$0x130] =	vst v25  }
0xe7: {  	v25 =	vand.u32 $0x10, v26;
	v26 =	vshrl.u32 v27, $0x1B;
	v34 =	vld [tilespmem:s29+$0xFFFFFFF0];
	v8 =	vadd.s32 v8, v32;
	[tilespmem:s25+$0x1B0] =	vst v24  }
0xe8: {  	v24 =	vand.u32 $0x10, v26;
	v26 =	vshrl.u32 v28, $0x1B;
	v32 =	vld [tilespmem:s29+$0x0];
	v35 =	vperm.xlane v7, v8;
	[tilespmem:s25+$0x40] =	vst v23  }
0xe9: {  	v23 =	vadd.s32 v31, v25;
	s25 =	sadd.s32 $0x400, s25;
	v25 =	vand.u32 $0x10, v26;
	v26 =	vshrl.u32 v29, $0x1B;
	v31 =	vld [tilespmem:s29+$0x10];
	[tilespmem:s26+$0xC0] =	vst v22  }
0xea: {  	v22 =	vadd.s32 v27, v24;
	v24 =	vand.u32 $0x10, v26;
	v26 =	vshrl.u32 v30, $0x1B;
	v27 =	vld [tilespmem:s29+$0x20];
	[tilespmem:s25+$0x1F0] =	vst v35  }
0xeb: {  	v25 =	vadd.s32 v28, v25;
	v26 =	vand.u32 $0x10, v26;
	v28 =	vshrl.u32 v33, $0x1B;
	v35 =	vld [tilespmem:s29+$0x30];
	[tilespmem:s26+$0x140] =	vst v21  }
0xec: {  	v21 =	vadd.s32 v29, v24;
	v24 =	vand.u32 $0x10, v28;
	v28 =	vshrl.u32 v34, $0x1B;
	v29 =	vld [tilespmem:s29+$0x40];
	[tilespmem:s26+$0x1C0] =	vst v20  }
0xed: {  	v20 =	vadd.s32 v30, v26;
	v26 =	vand.u32 $0x10, v28;
	v28 =	vshrl.u32 v32, $0x1B;
	v30 =	vld [tilespmem:s29+$0x50];
	[tilespmem:s26+$0x50] =	vst v19  }
0xee: {  	v19 =	vadd.s32 v33, v24;
	v24 =	vand.u32 $0x10, v28;
	v28 =	vshrl.u32 v31, $0x1B;
	v33 =	vld [tilespmem:s29+$0x60];
	[tilespmem:s26+$0xD0] =	vst v18  }
0xef: {  	v26 =	vadd.s32 v34, v26;
	v18 =	vld [tilespmem:s29+$0xFFFFFF80];
	v28 =	vand.u32 $0x10, v28;
	v34 =	vshrl.u32 v27, $0x1B;
	[tilespmem:s26+$0x150] =	vst v17  }
0xf0: {  	v17 =	vadd.s32 v32, v24;
	v24 =	vand.u32 $0x10, v34;
	v32 =	vshrl.u32 v35, $0x1B;
	[tilespmem:s26+$0x1D0] =	vst v16  }
0xf1: {  	v16 =	vadd.s32 v31, v28;
	v28 =	vand.u32 $0x10, v32;
	v31 =	vshrl.u32 v29, $0x1B;
	[tilespmem:s26+$0x60] =	vst v15  }
0xf2: {  	v15 =	vadd.s32 v27, v24;
	v24 =	vand.u32 $0x10, v31;
	v27 =	vshrl.u32 v30, $0x1B;
	[tilespmem:s26+$0xE0] =	vst v14  }
0xf3: {  	v14 =	vadd.s32 v35, v28;
	v27 =	vand.u32 $0x10, v27;
	v28 =	vshrl.u32 v33, $0x1B;
	[tilespmem:s26+$0x160] =	vst v13  }
0xf4: {  	v32 =	vadd.s32 v29, v24;
	v13 =	vshrl.u32 v18, $0x1B;
	v24 =	vand.u32 $0x10, v28;
	[tilespmem:s26+$0x1E0] =	vst v12  }
0xf5: {  	v12 =	vand.u32 $0x10, v13;
	v13 =	vadd.s32 v30, v27;
	v33 =	vadd.s32 v33, v24;
	[tilespmem:s26+$0x70] =	vst v11  }
0xf6: {  	v11 =	vadd.s32 v18, v12;
	v12 =	vperm.xlane v4, v23;
	v18 =	vperm.xlane v5, v23;
	[tilespmem:s26+$0xF0] =	vst v10  }
0xf7: {  	v10 =	vperm.xlane v4, v11;
	v24 =	vperm.xlane v5, v11;
	[tilespmem:s26+$0x170] =	vst v9;
	s26 =	smov.u32 s25  }
0xf8: {  	v9 =	vperm.xlane v6, v11;
	v11 =	vperm.xlane v7, v11;
	[tilespmem:s25+$0xFFFFFE10] =	vst v12  }
0xf9: {  	v12 =	vperm.xlane v7, v23;
	[tilespmem:s25+$0xFFFFFE00] =	vst v10;
	v10 =	vperm.xlane v6, v23  }
0xfa: {  	v23 =	vperm.xlane v4, v22;
	[tilespmem:s25+$0xFFFFFE80] =	vst v24;
	v24 =	vperm.xlane v5, v22  }
0xfb: {  	[tilespmem:s25+$0xFFFFFF00] =	vst v9;
	v9 =	vperm.xlane v6, v22;
	v22 =	vperm.xlane v7, v22  }
0xfc: {  	v27 =	vperm.xlane v5, v25;
	[tilespmem:s25+$0xFFFFFF80] =	vst v11;
	v11 =	vperm.xlane v4, v25  }
0xfd: {  	[tilespmem:s25+$0xFFFFFE90] =	vst v18;
	v18 =	vperm.xlane v6, v25;
	v25 =	vperm.xlane v7, v25  }
0xfe: {  	v28 =	vperm.xlane v5, v21;
	[tilespmem:s25+$0xFFFFFF10] =	vst v10;
	v10 =	vperm.xlane v4, v21  }
0xff: {  	[tilespmem:s25+$0xFFFFFF90] =	vst v12;
	v12 =	vperm.xlane v6, v21;
	v21 =	vperm.xlane v7, v21  }
0x100: {  	v34 =	vperm.xlane v5, v20;
	[tilespmem:s25+$0xFFFFFE20] =	vst v23;
	v23 =	vperm.xlane v4, v20  }
0x101: {  	v35 =	vperm.xlane v6, v20;
	v20 =	vperm.xlane v7, v20;
	[tilespmem:s25+$0xFFFFFEA0] =	vst v24  }
0x102: {  	v36 =	vperm.xlane v5, v19;
	[tilespmem:s25+$0xFFFFFF20] =	vst v9;
	v9 =	vperm.xlane v4, v19  }
0x103: {  	v37 =	vperm.xlane v6, v19;
	v38 =	vperm.xlane v7, v19;
	[tilespmem:s25+$0xFFFFFFA0] =	vst v22  }
0x104: {  	v39 =	vperm.xlane v5, v26;
	[tilespmem:s25+$0xFFFFFE30] =	vst v11;
	v11 =	vperm.xlane v4, v26  }
0x105: {  	v40 =	vperm.xlane v6, v26;
	v41 =	vperm.xlane v7, v26;
	[tilespmem:s25+$0xFFFFFEB0] =	vst v27  }
0x106: {  	v42 =	vperm.xlane v4, v17;
	v43 =	vperm.xlane v5, v17;
	[tilespmem:s25+$0xFFFFFF30] =	vst v18  }
0x107: {  	v44 =	vperm.xlane v6, v17;
	v45 =	vperm.xlane v7, v17;
	[tilespmem:s25+$0xFFFFFFB0] =	vst v25  }
0x108: {  	v46 =	vperm.xlane v4, v16;
	v47 =	vperm.xlane v5, v16;
	[tilespmem:s25+$0xFFFFFE40] =	vst v10  }
0x109: {  	v48 =	vperm.xlane v6, v16;
	v49 =	vperm.xlane v7, v16;
	[tilespmem:s25+$0xFFFFFEC0] =	vst v28  }
0x10a: {  	v31 =	vperm.xlane v4, v15;
	v27 =	vperm.xlane v5, v15;
	[tilespmem:s25+$0xFFFFFF40] =	vst v12  }
0x10b: {  	v29 =	vperm.xlane v7, v15;
	v28 =	vperm.xlane v6, v15;
	[tilespmem:s25+$0xFFFFFFC0] =	vst v21  }
0x10c: {  	v30 =	vperm.xlane v4, v14;
	v26 =	vperm.xlane v5, v14;
	[tilespmem:s25+$0xFFFFFE50] =	vst v23  }
0x10d: {  	v24 =	vperm.xlane v7, v14;
	v25 =	vperm.xlane v6, v14;
	[tilespmem:s25+$0xFFFFFED0] =	vst v34  }
0x10e: {  	v22 =	vperm.xlane v5, v32;
	v23 =	vperm.xlane v4, v32;
	[tilespmem:s25+$0xFFFFFF50] =	vst v35  }
0x10f: {  	v21 =	vperm.xlane v6, v32;
	[tilespmem:s25+$0xFFFFFFD0] =	vst v20;
	v20 =	vperm.xlane v7, v32  }
0x110: {  	v19 =	vperm.xlane v4, v13;
	v18 =	vperm.xlane v5, v13;
	[tilespmem:s25+$0xFFFFFE60] =	vst v9  }
0x111: {  	v17 =	vperm.xlane v6, v13;
	v16 =	vperm.xlane v7, v13;
	[tilespmem:s25+$0xFFFFFEE0] =	vst v36  }
0x112: {  	v14 =	vperm.xlane v5, v33;
	v15 =	vperm.xlane v4, v33;
	[tilespmem:s25+$0xFFFFFF60] =	vst v37  }
0x113: {  	v13 =	vperm.xlane v6, v33;
	v12 =	vperm.xlane v7, v33;
	[tilespmem:s25+$0xFFFFFFE0] =	vst v38  }
0x114: {  	v10 =	vperm.xlane v5, v8;
	[tilespmem:s25+$0xFFFFFE70] =	vst v11;
	v11 =	vperm.xlane v4, v8  }
0x115: {  	v9 =	vperm.xlane v6, v8;
	[tilespmem:s25+$0xFFFFFEF0] =	vst v39  }
0x116: {  	[tilespmem:s25+$0xFFFFFF70] =	vst v40  }
0x117: {  	[tilespmem:s25+$0xFFFFFFF0] =	vst v41  }
0x118: {  	[tilespmem:s25+$0x0] =	vst v42  }
0x119: {  	[tilespmem:s25+$0x80] =	vst v43  }
0x11a: {  	[tilespmem:s25+$0x100] =	vst v44  }
.Ltmp1:
0x11b: {  	[tilespmem:s25+$0x180] =	vst v45;
	(pc) =	sbr.rel @p0 .LBB2_4-.Ltmp1, $4  }
0x11c: {  	[tilespmem:s25+$0x10] =	vst v46  }
0x11d: {  	[tilespmem:s25+$0x90] =	vst v47  }
0x11e: {  	[tilespmem:s25+$0x110] =	vst v48  }
0x11f: {  	s29 =	sadd.s32 $0x100, s29;
	[tilespmem:s25+$0x190] =	vst v49  }
0x120: {  	[tilespmem:s25+$0x20] =	vst v31  }
0x121: {  	[tilespmem:s25+$0xA0] =	vst v27  }
0x122: {  	[tilespmem:s25+$0x120] =	vst v28  }
0x123: {  	[tilespmem:s25+$0x1A0] =	vst v29  }
0x124: {  	[tilespmem:s25+$0x30] =	vst v30  }
0x125: {  	[tilespmem:s25+$0xB0] =	vst v26  }
0x126: {  	[tilespmem:s25+$0x130] =	vst v25  }
0x127: {  	[tilespmem:s25+$0x1B0] =	vst v24  }
0x128: {  	[tilespmem:s25+$0x40] =	vst v23  }
0x129: {  	[tilespmem:s26+$0x50] =	vst v19  }
0x12a: {  	[tilespmem:s26+$0xD0] =	vst v18  }
0x12b: {  	[tilespmem:s26+$0x150] =	vst v17  }
0x12c: {  	[tilespmem:s26+$0x1D0] =	vst v16  }
0x12d: {  	[tilespmem:s26+$0x60] =	vst v15  }
0x12e: {  	[tilespmem:s26+$0xE0] =	vst v14  }
0x12f: {  	[tilespmem:s26+$0x160] =	vst v13  }
0x130: {  	[tilespmem:s26+$0x1E0] =	vst v12  }
0x131: {  	[tilespmem:s26+$0x70] =	vst v11  }
0x132: {  	[tilespmem:s26+$0xF0] =	vst v10  }
0x133: {  	[tilespmem:s26+$0x170] =	vst v9  }
0x134: {  	[tilespmem:s26+$0xC0] =	vst v22  }
0x135: {  	[tilespmem:s26+$0x140] =	vst v21  }
0x136: {  	[tilespmem:s26+$0x1C0] =	vst v20  }
0x137: {  	[hbm4b:s8+s2] =	stream.linear.scatter [tilespmem:s19], [sflag:$0x4], $0x8000, $0x38;
	[tilespmem:$0x1C400] =	vst v63  }
0x138: {  	_ = 	snop  }
0x139: {  	[tilespmem:s15], [sflag:$0x2] =	stream.linear.gather [hbm4b:s9+s2], $0x2000, $0x38;
	[tilespmem:$0x1C400] =	vst v63  }
0x13a: {  	_ =	swait.ge [sflag:s16], $0x2000  }
0x13b: {  	[sflag:s16] =	ssyncset.done $0x0  }
0x13c: {  	s31 =	simm.s32 $0x480;
	[sflag:s16] =	ssyncadd.s32 $0xFFFFE000  }
0x13d: {  	v8 =	vld [tilespmem:s31+$0x70]  }
0x13e: {  	v9 =	vld [tilespmem:s31+$0xFFFFFF90]  }
0x13f: {  	v10 =	vld [tilespmem:s31+$0xFFFFFF80];
	_ =	sdelay $0x2  }
0x140: {  	v11 =	vshrl.u32 v8, $0x1B  }
0x141: {  	v12 =	vshrl.u32 v9, $0x1B;
	v11 =	vand.u32 $0x10, v11  }
0x142: {  	v12 =	vand.u32 $0x10, v12;
	v8 =	vadd.s32 v8, v11;
	v11 =	vshrl.u32 v10, $0x1B  }
0x143: {  	v9 =	vadd.s32 v9, v12;
	v13 =	vperm.xlane v7, v8;
	v11 =	vand.u32 $0x10, v11  }
0x144: {  	s25 =	simm.s32 $0x14600;
	v12 =	vld [tilespmem:s31+$0xFFFFFFA0];
	v10 =	vadd.s32 v10, v11;
	v11 =	vperm.xlane v4, v9  }
0x145: {  	[tilespmem:s25+$0x1F0] =	vst v13;
	v13 =	vperm.xlane v4, v10  }
0x146: {  	v14 =	vperm.xlane v5, v10;
	[tilespmem:s25+$0xFFFFFE10] =	vst v11  }
0x147: {  	v11 =	vperm.xlane v6, v10;
	[tilespmem:s25+$0xFFFFFE00] =	vst v13  }
0x148: {  	v10 =	vperm.xlane v7, v10;
	v13 =	vld [tilespmem:s31+$0xFFFFFFB0];
	[tilespmem:s25+$0xFFFFFE80] =	vst v14  }
0x149: {  	v15 =	vperm.xlane v5, v9;
	v14 =	vshrl.u32 v12, $0x1B;
	[tilespmem:s25+$0xFFFFFF00] =	vst v11  }
0x14a: {  	v11 =	vand.u32 $0x10, v14;
	v14 =	vperm.xlane v6, v9;
	[tilespmem:s25+$0xFFFFFF80] =	vst v10;
	v10 =	vld [tilespmem:s31+$0xFFFFFFC0]  }
0x14b: {  	[tilespmem:s25+$0xFFFFFE90] =	vst v15;
	v9 =	vperm.xlane v7, v9;
	v11 =	vadd.s32 v12, v11;
	v12 =	vld [tilespmem:s31+$0xFFFFFFD0]  }
0x14c: {  	v15 =	vperm.xlane v4, v11;
	[tilespmem:s25+$0xFFFFFF10] =	vst v14  }
0x14d: {  	v16 =	vperm.xlane v5, v11;
	[tilespmem:s25+$0xFFFFFF90] =	vst v9;
	v9 =	vld [tilespmem:s31+$0xFFFFFFE0];
	v14 =	vshrl.u32 v13, $0x1B  }
0x14e: {  	v17 =	vperm.xlane v6, v11;
	[tilespmem:s25+$0xFFFFFE20] =	vst v15;
	v15 =	vld [tilespmem:s31+$0xFFFFFFF0];
	v14 =	vand.u32 $0x10, v14  }
0x14f: {  	v11 =	vperm.xlane v7, v11;
	[tilespmem:s25+$0xFFFFFEA0] =	vst v16;
	v16 =	vld [tilespmem:s31+$0x0];
	v13 =	vadd.s32 v13, v14  }
0x150: {  	[tilespmem:s25+$0xFFFFFF20] =	vst v17;
	v17 =	vshrl.u32 v10, $0x1B;
	v18 =	vshrl.u32 v12, $0x1B;
	v14 =	vperm.xlane v4, v13  }
0x151: {  	[tilespmem:s25+$0xFFFFFFA0] =	vst v11;
	v11 =	vld [tilespmem:s31+$0x10];
	v17 =	vand.u32 $0x10, v17;
	v19 =	vperm.xlane v5, v13;
	v18 =	vand.u32 $0x10, v18  }
0x152: {  	v20 =	vperm.xlane v6, v13;
	v10 =	vadd.s32 v10, v17;
	v13 =	vperm.xlane v7, v13;
	[tilespmem:s25+$0xFFFFFE30] =	vst v14  }
0x153: {  	v21 =	vperm.xlane v4, v10;
	v12 =	vadd.s32 v12, v18;
	v14 =	vshrl.u32 v9, $0x1B;
	[tilespmem:s25+$0xFFFFFEB0] =	vst v19  }
0x154: {  	v19 =	vshrl.u32 v15, $0x1B;
	[tilespmem:s25+$0xFFFFFFB0] =	vst v13;
	v13 =	vshrl.u32 v16, $0x1B;
	v22 =	vperm.xlane v6, v12  }
0x155: {  	[tilespmem:s25+$0xFFFFFF30] =	vst v20;
	v14 =	vand.u32 $0x10, v14;
	v18 =	vand.u32 $0x10, v19;
	v19 =	vperm.xlane v5, v10  }
0x156: {  	[tilespmem:s25+$0xFFFFFE40] =	vst v21;
	v13 =	vand.u32 $0x10, v13;
	v21 =	vshrl.u32 v11, $0x1B;
	v9 =	vadd.s32 v9, v14  }
0x157: {  	v14 =	vperm.xlane v6, v10;
	v10 =	vperm.xlane v7, v10;
	v15 =	vadd.s32 v15, v18;
	[tilespmem:s25+$0xFFFFFF50] =	vst v22  }
0x158: {  	v18 =	vand.u32 $0x10, v21;
	v21 =	vperm.xlane v5, v12;
	[tilespmem:s25+$0xFFFFFEC0] =	vst v19;
	v19 =	vperm.xlane v4, v12  }
0x159: {  	v17 =	vld [tilespmem:s31+$0x20];
	v13 =	vadd.s32 v16, v13;
	v12 =	vperm.xlane v7, v12;
	v16 =	vperm.xlane v4, v9;
	[tilespmem:s25+$0xFFFFFF40] =	vst v14  }
0x15a: {  	v20 =	vld [tilespmem:s31+$0x30];
	v23 =	vperm.xlane v6, v9;
	v24 =	vperm.xlane v4, v15;
	[tilespmem:s25+$0xFFFFFFC0] =	vst v10  }
0x15b: {  	v11 =	vadd.s32 v11, v18;
	v18 =	vperm.xlane v5, v15;
	v25 =	vperm.xlane v6, v15;
	[tilespmem:s25+$0xFFFFFED0] =	vst v21  }
0x15c: {  	v15 =	vperm.xlane v7, v15;
	v32 =	vperm.xlane v5, v13;
	[tilespmem:s25+$0xFFFFFE50] =	vst v19  }
0x15d: {  	v22 =	vld [tilespmem:s31+$0x50];
	v33 =	vperm.xlane v6, v13;
	v34 =	vperm.xlane v4, v11;
	[tilespmem:s25+$0xFFFFFFD0] =	vst v12  }
0x15e: {  	v14 =	vshrl.u32 v17, $0x1B;
	v35 =	vperm.xlane v5, v11;
	v36 =	vperm.xlane v6, v11;
	[tilespmem:s25+$0xFFFFFE60] =	vst v16  }
0x15f: {  	v37 =	vperm.xlane v7, v11;
	v14 =	vand.u32 $0x10, v14;
	v21 =	vshrl.u32 v20, $0x1B;
	[tilespmem:s25+$0xFFFFFF60] =	vst v23  }
0x160: {  	v10 =	vld [tilespmem:s31+$0x40];
	v19 =	vperm.xlane v5, v9;
	v9 =	vperm.xlane v7, v9;
	[tilespmem:s25+$0xFFFFFE70] =	vst v24;
	v12 =	vand.u32 $0x10, v21  }
0x161: {  	[tilespmem:s25+$0xFFFFFEF0] =	vst v18;
	v21 =	vperm.xlane v4, v13;
	v14 =	vadd.s32 v17, v14;
	v13 =	vperm.xlane v7, v13  }
0x162: {  	[tilespmem:s25+$0xFFFFFFE0] =	vst v9;
	v9 =	vshrl.u32 v22, $0x1B;
	v31 =	vperm.xlane v4, v14;
	v27 =	vperm.xlane v5, v14  }
0x163: {  	[tilespmem:s25+$0xFFFFFF70] =	vst v25;
	v17 =	vld [tilespmem:s31+$0x60];
	v11 =	vadd.s32 v20, v12;
	v28 =	vperm.xlane v6, v14;
	v29 =	vperm.xlane v7, v14  }
0x164: {  	[tilespmem:s25+$0xFFFFFFF0] =	vst v15;
	v9 =	vand.u32 $0x10, v9;
	v30 =	vperm.xlane v4, v11;
	v26 =	vperm.xlane v5, v11  }
0x165: {  	[tilespmem:s25+$0x80] =	vst v32;
	v25 =	vperm.xlane v6, v11;
	v16 =	vshrl.u32 v10, $0x1B;
	v9 =	vadd.s32 v22, v9  }
0x166: {  	[tilespmem:s25+$0xFFFFFEE0] =	vst v19;
	v24 =	vperm.xlane v7, v11;
	v16 =	vand.u32 $0x10, v16;
	v19 =	vperm.xlane v4, v9  }
0x167: {  	[tilespmem:s25+$0x100] =	vst v33;
	v18 =	vperm.xlane v5, v9;
	v10 =	vadd.s32 v10, v16;
	v16 =	vperm.xlane v7, v9  }
0x168: {  	[tilespmem:s25+$0x10] =	vst v34;
	v12 =	vshrl.u32 v17, $0x1B;
	v23 =	vperm.xlane v4, v10;
	v22 =	vperm.xlane v5, v10  }
0x169: {  	[tilespmem:s25+$0x0] =	vst v21;
	v21 =	vperm.xlane v6, v10;
	v11 =	vand.u32 $0x10, v12;
	v20 =	vperm.xlane v7, v10  }
0x16a: {  	[tilespmem:s25+$0x90] =	vst v35;
	v10 =	vadd.s32 v17, v11;
	v17 =	vperm.xlane v6, v9;
	v11 =	vperm.xlane v4, v8  }
0x16b: {  	[tilespmem:s25+$0x110] =	vst v36;
	v9 =	vperm.xlane v6, v8;
	v15 =	vperm.xlane v4, v10  }
0x16c: {  	[tilespmem:s25+$0x180] =	vst v13;
	v14 =	vperm.xlane v5, v10;
	v13 =	vperm.xlane v6, v10  }
0x16d: {  	s28 =	simm.s32 $0x0;
	s29 =	simm.s32 $0x580;
	s26 =	simm.s32 $0x14600;
	[tilespmem:s25+$0x190] =	vst v37;
	v12 =	vperm.xlane v7, v10;
	v10 =	vperm.xlane v5, v8  }
.LBB2_6:
0x16e: {  	v8 =	vld [tilespmem:s29+$0x70];
	s28 =	sadd.s32 $0x100, s28;
	[tilespmem:s25+$0x20] =	vst v31  }
0x16f: {  	v31 =	vld [tilespmem:s29+$0xFFFFFF90];
	p0 =	slt.u32 s28, $0x1F00;
	[tilespmem:s25+$0xA0] =	vst v27  }
0x170: {  	v27 =	vld [tilespmem:s29+$0xFFFFFFA0];
	[tilespmem:s25+$0x120] =	vst v28  }
0x171: {  	v28 =	vld [tilespmem:s29+$0xFFFFFFB0];
	[tilespmem:s25+$0x1A0] =	vst v29  }
0x172: {  	v29 =	vld [tilespmem:s29+$0xFFFFFFC0];
	[tilespmem:s25+$0x30] =	vst v30  }
0x173: {  	v30 =	vld [tilespmem:s29+$0xFFFFFFD0];
	v32 =	vshrl.u32 v8, $0x1B;
	[tilespmem:s25+$0xB0] =	vst v26  }
0x174: {  	v26 =	vshrl.u32 v31, $0x1B;
	v33 =	vld [tilespmem:s29+$0xFFFFFFE0];
	v32 =	vand.u32 $0x10, v32;
	[tilespmem:s25+$0x130] =	vst v25  }
0x175: {  	v25 =	vand.u32 $0x10, v26;
	v26 =	vshrl.u32 v27, $0x1B;
	v34 =	vld [tilespmem:s29+$0xFFFFFFF0];
	v8 =	vadd.s32 v8, v32;
	[tilespmem:s25+$0x1B0] =	vst v24  }
0x176: {  	v24 =	vand.u32 $0x10, v26;
	v26 =	vshrl.u32 v28, $0x1B;
	v32 =	vld [tilespmem:s29+$0x0];
	v35 =	vperm.xlane v7, v8;
	[tilespmem:s25+$0x40] =	vst v23  }
0x177: {  	v23 =	vadd.s32 v31, v25;
	s25 =	sadd.s32 $0x400, s25;
	v25 =	vand.u32 $0x10, v26;
	v26 =	vshrl.u32 v29, $0x1B;
	v31 =	vld [tilespmem:s29+$0x10];
	[tilespmem:s26+$0xC0] =	vst v22  }
0x178: {  	v22 =	vadd.s32 v27, v24;
	v24 =	vand.u32 $0x10, v26;
	v26 =	vshrl.u32 v30, $0x1B;
	v27 =	vld [tilespmem:s29+$0x20];
	[tilespmem:s25+$0x1F0] =	vst v35  }
0x179: {  	v25 =	vadd.s32 v28, v25;
	v26 =	vand.u32 $0x10, v26;
	v28 =	vshrl.u32 v33, $0x1B;
	v35 =	vld [tilespmem:s29+$0x30];
	[tilespmem:s26+$0x140] =	vst v21  }
0x17a: {  	v21 =	vadd.s32 v29, v24;
	v24 =	vand.u32 $0x10, v28;
	v28 =	vshrl.u32 v34, $0x1B;
	v29 =	vld [tilespmem:s29+$0x40];
	[tilespmem:s26+$0x1C0] =	vst v20  }
0x17b: {  	v20 =	vadd.s32 v30, v26;
	v26 =	vand.u32 $0x10, v28;
	v28 =	vshrl.u32 v32, $0x1B;
	v30 =	vld [tilespmem:s29+$0x50];
	[tilespmem:s26+$0x50] =	vst v19  }
0x17c: {  	v19 =	vadd.s32 v33, v24;
	v24 =	vand.u32 $0x10, v28;
	v28 =	vshrl.u32 v31, $0x1B;
	v33 =	vld [tilespmem:s29+$0x60];
	[tilespmem:s26+$0xD0] =	vst v18  }
0x17d: {  	v26 =	vadd.s32 v34, v26;
	v18 =	vld [tilespmem:s29+$0xFFFFFF80];
	v28 =	vand.u32 $0x10, v28;
	v34 =	vshrl.u32 v27, $0x1B;
	[tilespmem:s26+$0x150] =	vst v17  }
0x17e: {  	v17 =	vadd.s32 v32, v24;
	v24 =	vand.u32 $0x10, v34;
	v32 =	vshrl.u32 v35, $0x1B;
	[tilespmem:s26+$0x1D0] =	vst v16  }
0x17f: {  	v16 =	vadd.s32 v31, v28;
	v28 =	vand.u32 $0x10, v32;
	v31 =	vshrl.u32 v29, $0x1B;
	[tilespmem:s26+$0x60] =	vst v15  }
0x180: {  	v15 =	vadd.s32 v27, v24;
	v24 =	vand.u32 $0x10, v31;
	v27 =	vshrl.u32 v30, $0x1B;
	[tilespmem:s26+$0xE0] =	vst v14  }
0x181: {  	v14 =	vadd.s32 v35, v28;
	v27 =	vand.u32 $0x10, v27;
	v28 =	vshrl.u32 v33, $0x1B;
	[tilespmem:s26+$0x160] =	vst v13  }
0x182: {  	v32 =	vadd.s32 v29, v24;
	v13 =	vshrl.u32 v18, $0x1B;
	v24 =	vand.u32 $0x10, v28;
	[tilespmem:s26+$0x1E0] =	vst v12  }
0x183: {  	v12 =	vand.u32 $0x10, v13;
	v13 =	vadd.s32 v30, v27;
	v33 =	vadd.s32 v33, v24;
	[tilespmem:s26+$0x70] =	vst v11  }
0x184: {  	v11 =	vadd.s32 v18, v12;
	v12 =	vperm.xlane v4, v23;
	v18 =	vperm.xlane v5, v23;
	[tilespmem:s26+$0xF0] =	vst v10  }
0x185: {  	v10 =	vperm.xlane v4, v11;
	v24 =	vperm.xlane v5, v11;
	[tilespmem:s26+$0x170] =	vst v9;
	s26 =	smov.u32 s25  }
0x186: {  	v9 =	vperm.xlane v6, v11;
	v11 =	vperm.xlane v7, v11;
	[tilespmem:s25+$0xFFFFFE10] =	vst v12  }
0x187: {  	v12 =	vperm.xlane v7, v23;
	[tilespmem:s25+$0xFFFFFE00] =	vst v10;
	v10 =	vperm.xlane v6, v23  }
0x188: {  	v23 =	vperm.xlane v4, v22;
	[tilespmem:s25+$0xFFFFFE80] =	vst v24;
	v24 =	vperm.xlane v5, v22  }
0x189: {  	[tilespmem:s25+$0xFFFFFF00] =	vst v9;
	v9 =	vperm.xlane v6, v22;
	v22 =	vperm.xlane v7, v22  }
0x18a: {  	v27 =	vperm.xlane v5, v25;
	[tilespmem:s25+$0xFFFFFF80] =	vst v11;
	v11 =	vperm.xlane v4, v25  }
0x18b: {  	[tilespmem:s25+$0xFFFFFE90] =	vst v18;
	v18 =	vperm.xlane v6, v25;
	v25 =	vperm.xlane v7, v25  }
0x18c: {  	v28 =	vperm.xlane v5, v21;
	[tilespmem:s25+$0xFFFFFF10] =	vst v10;
	v10 =	vperm.xlane v4, v21  }
0x18d: {  	[tilespmem:s25+$0xFFFFFF90] =	vst v12;
	v12 =	vperm.xlane v6, v21;
	v21 =	vperm.xlane v7, v21  }
0x18e: {  	v34 =	vperm.xlane v5, v20;
	[tilespmem:s25+$0xFFFFFE20] =	vst v23;
	v23 =	vperm.xlane v4, v20  }
0x18f: {  	v35 =	vperm.xlane v6, v20;
	v20 =	vperm.xlane v7, v20;
	[tilespmem:s25+$0xFFFFFEA0] =	vst v24  }
0x190: {  	v36 =	vperm.xlane v5, v19;
	[tilespmem:s25+$0xFFFFFF20] =	vst v9;
	v9 =	vperm.xlane v4, v19  }
0x191: {  	v37 =	vperm.xlane v6, v19;
	v38 =	vperm.xlane v7, v19;
	[tilespmem:s25+$0xFFFFFFA0] =	vst v22  }
0x192: {  	v39 =	vperm.xlane v5, v26;
	[tilespmem:s25+$0xFFFFFE30] =	vst v11;
	v11 =	vperm.xlane v4, v26  }
0x193: {  	v40 =	vperm.xlane v6, v26;
	v41 =	vperm.xlane v7, v26;
	[tilespmem:s25+$0xFFFFFEB0] =	vst v27  }
0x194: {  	v42 =	vperm.xlane v4, v17;
	v43 =	vperm.xlane v5, v17;
	[tilespmem:s25+$0xFFFFFF30] =	vst v18  }
0x195: {  	v44 =	vperm.xlane v6, v17;
	v45 =	vperm.xlane v7, v17;
	[tilespmem:s25+$0xFFFFFFB0] =	vst v25  }
0x196: {  	v46 =	vperm.xlane v4, v16;
	v47 =	vperm.xlane v5, v16;
	[tilespmem:s25+$0xFFFFFE40] =	vst v10  }
0x197: {  	v48 =	vperm.xlane v6, v16;
	v49 =	vperm.xlane v7, v16;
	[tilespmem:s25+$0xFFFFFEC0] =	vst v28  }
0x198: {  	v31 =	vperm.xlane v4, v15;
	v27 =	vperm.xlane v5, v15;
	[tilespmem:s25+$0xFFFFFF40] =	vst v12  }
0x199: {  	v29 =	vperm.xlane v7, v15;
	v28 =	vperm.xlane v6, v15;
	[tilespmem:s25+$0xFFFFFFC0] =	vst v21  }
0x19a: {  	v30 =	vperm.xlane v4, v14;
	v26 =	vperm.xlane v5, v14;
	[tilespmem:s25+$0xFFFFFE50] =	vst v23  }
0x19b: {  	v24 =	vperm.xlane v7, v14;
	v25 =	vperm.xlane v6, v14;
	[tilespmem:s25+$0xFFFFFED0] =	vst v34  }
0x19c: {  	v22 =	vperm.xlane v5, v32;
	v23 =	vperm.xlane v4, v32;
	[tilespmem:s25+$0xFFFFFF50] =	vst v35  }
0x19d: {  	v21 =	vperm.xlane v6, v32;
	[tilespmem:s25+$0xFFFFFFD0] =	vst v20;
	v20 =	vperm.xlane v7, v32  }
0x19e: {  	v19 =	vperm.xlane v4, v13;
	v18 =	vperm.xlane v5, v13;
	[tilespmem:s25+$0xFFFFFE60] =	vst v9  }
0x19f: {  	v17 =	vperm.xlane v6, v13;
	v16 =	vperm.xlane v7, v13;
	[tilespmem:s25+$0xFFFFFEE0] =	vst v36  }
0x1a0: {  	v14 =	vperm.xlane v5, v33;
	v15 =	vperm.xlane v4, v33;
	[tilespmem:s25+$0xFFFFFF60] =	vst v37  }
0x1a1: {  	v13 =	vperm.xlane v6, v33;
	v12 =	vperm.xlane v7, v33;
	[tilespmem:s25+$0xFFFFFFE0] =	vst v38  }
0x1a2: {  	v10 =	vperm.xlane v5, v8;
	[tilespmem:s25+$0xFFFFFE70] =	vst v11;
	v11 =	vperm.xlane v4, v8  }
0x1a3: {  	v9 =	vperm.xlane v6, v8;
	[tilespmem:s25+$0xFFFFFEF0] =	vst v39  }
0x1a4: {  	[tilespmem:s25+$0xFFFFFF70] =	vst v40  }
0x1a5: {  	[tilespmem:s25+$0xFFFFFFF0] =	vst v41  }
0x1a6: {  	[tilespmem:s25+$0x0] =	vst v42  }
0x1a7: {  	[tilespmem:s25+$0x80] =	vst v43  }
0x1a8: {  	[tilespmem:s25+$0x100] =	vst v44  }
.Ltmp2:
0x1a9: {  	[tilespmem:s25+$0x180] =	vst v45;
	(pc) =	sbr.rel @p0 .LBB2_6-.Ltmp2, $4  }
0x1aa: {  	[tilespmem:s25+$0x10] =	vst v46  }
0x1ab: {  	[tilespmem:s25+$0x90] =	vst v47  }
0x1ac: {  	[tilespmem:s25+$0x110] =	vst v48  }
0x1ad: {  	s29 =	sadd.s32 $0x100, s29;
	[tilespmem:s25+$0x190] =	vst v49  }
0x1ae: {  	[tilespmem:s25+$0x20] =	vst v31  }
0x1af: {  	[tilespmem:s25+$0xA0] =	vst v27  }
0x1b0: {  	[tilespmem:s25+$0x120] =	vst v28  }
0x1b1: {  	[tilespmem:s25+$0x1A0] =	vst v29  }
0x1b2: {  	[tilespmem:s25+$0x30] =	vst v30  }
0x1b3: {  	[tilespmem:s25+$0xB0] =	vst v26  }
0x1b4: {  	[tilespmem:s25+$0x130] =	vst v25  }
0x1b5: {  	[tilespmem:s25+$0x1B0] =	vst v24  }
0x1b6: {  	[tilespmem:s25+$0x40] =	vst v23  }
0x1b7: {  	[tilespmem:s26+$0x50] =	vst v19  }
0x1b8: {  	[tilespmem:s26+$0xD0] =	vst v18  }
0x1b9: {  	[tilespmem:s26+$0x150] =	vst v17  }
0x1ba: {  	[tilespmem:s26+$0x1D0] =	vst v16  }
0x1bb: {  	[tilespmem:s26+$0x60] =	vst v15  }
0x1bc: {  	[tilespmem:s26+$0xE0] =	vst v14  }
0x1bd: {  	[tilespmem:s26+$0x160] =	vst v13  }
0x1be: {  	[tilespmem:s26+$0x1E0] =	vst v12  }
0x1bf: {  	[tilespmem:s26+$0x70] =	vst v11  }
0x1c0: {  	[tilespmem:s26+$0xF0] =	vst v10  }
0x1c1: {  	[tilespmem:s26+$0x170] =	vst v9  }
0x1c2: {  	[tilespmem:s26+$0xC0] =	vst v22  }
0x1c3: {  	[tilespmem:s26+$0x140] =	vst v21  }
0x1c4: {  	[tilespmem:s26+$0x1C0] =	vst v20  }
0x1c5: {  	[hbm4b:s10+s2] =	stream.linear.scatter [tilespmem:s20], [sflag:$0x5], $0x8000, $0x38;
	[tilespmem:$0x1C400] =	vst v63  }
0x1c6: {  	_ =	swait.ge [sflag:s18], $0x2000  }
0x1c7: {  	[sflag:s18] =	ssyncset.done $0x0  }
0x1c8: {  	[sflag:s18] =	ssyncadd.s32 $0xFFFFE000  }
0x1c9: {  	_ =	swait.ge [sflag:s21], $0x8000  }
0x1ca: {  	[sflag:s21] =	ssyncset.done $0x0  }
0x1cb: {  	s31 =	simm.s32 $0x2480;
	[sflag:s21] =	ssyncadd.s32 $0xFFFF8000  }
0x1cc: {  	v8 =	vld [tilespmem:s31+$0x70]  }
0x1cd: {  	v9 =	vld [tilespmem:s31+$0xFFFFFF90]  }
0x1ce: {  	v10 =	vld [tilespmem:s31+$0xFFFFFF80];
	_ =	sdelay $0x2  }
0x1cf: {  	v11 =	vshrl.u32 v8, $0x1B  }
0x1d0: {  	v12 =	vshrl.u32 v9, $0x1B;
	v11 =	vand.u32 $0x10, v11  }
0x1d1: {  	v12 =	vand.u32 $0x10, v12;
	v8 =	vadd.s32 v8, v11;
	v11 =	vshrl.u32 v10, $0x1B  }
0x1d2: {  	v9 =	vadd.s32 v9, v12;
	v13 =	vperm.xlane v7, v8;
	v11 =	vand.u32 $0x10, v11  }
0x1d3: {  	s25 =	simm.s32 $0x4600;
	v12 =	vld [tilespmem:s31+$0xFFFFFFA0];
	v10 =	vadd.s32 v10, v11;
	v11 =	vperm.xlane v4, v9  }
0x1d4: {  	[tilespmem:s25+$0x1F0] =	vst v13;
	v13 =	vperm.xlane v4, v10  }
0x1d5: {  	v14 =	vperm.xlane v5, v10;
	[tilespmem:s25+$0xFFFFFE10] =	vst v11  }
0x1d6: {  	v11 =	vperm.xlane v6, v10;
	[tilespmem:s25+$0xFFFFFE00] =	vst v13  }
0x1d7: {  	v10 =	vperm.xlane v7, v10;
	v13 =	vld [tilespmem:s31+$0xFFFFFFB0];
	[tilespmem:s25+$0xFFFFFE80] =	vst v14  }
0x1d8: {  	v15 =	vperm.xlane v5, v9;
	v14 =	vshrl.u32 v12, $0x1B;
	[tilespmem:s25+$0xFFFFFF00] =	vst v11  }
0x1d9: {  	v11 =	vand.u32 $0x10, v14;
	v14 =	vperm.xlane v6, v9;
	[tilespmem:s25+$0xFFFFFF80] =	vst v10;
	v10 =	vld [tilespmem:s31+$0xFFFFFFC0]  }
0x1da: {  	[tilespmem:s25+$0xFFFFFE90] =	vst v15;
	v9 =	vperm.xlane v7, v9;
	v11 =	vadd.s32 v12, v11;
	v12 =	vld [tilespmem:s31+$0xFFFFFFD0]  }
0x1db: {  	v15 =	vperm.xlane v4, v11;
	[tilespmem:s25+$0xFFFFFF10] =	vst v14  }
0x1dc: {  	v16 =	vperm.xlane v5, v11;
	[tilespmem:s25+$0xFFFFFF90] =	vst v9;
	v9 =	vld [tilespmem:s31+$0xFFFFFFE0];
	v14 =	vshrl.u32 v13, $0x1B  }
0x1dd: {  	v17 =	vperm.xlane v6, v11;
	[tilespmem:s25+$0xFFFFFE20] =	vst v15;
	v15 =	vld [tilespmem:s31+$0xFFFFFFF0];
	v14 =	vand.u32 $0x10, v14  }
0x1de: {  	v11 =	vperm.xlane v7, v11;
	[tilespmem:s25+$0xFFFFFEA0] =	vst v16;
	v16 =	vld [tilespmem:s31+$0x0];
	v13 =	vadd.s32 v13, v14  }
0x1df: {  	[tilespmem:s25+$0xFFFFFF20] =	vst v17;
	v17 =	vshrl.u32 v10, $0x1B;
	v18 =	vshrl.u32 v12, $0x1B;
	v14 =	vperm.xlane v4, v13  }
0x1e0: {  	[tilespmem:s25+$0xFFFFFFA0] =	vst v11;
	v11 =	vld [tilespmem:s31+$0x10];
	v17 =	vand.u32 $0x10, v17;
	v19 =	vperm.xlane v5, v13;
	v18 =	vand.u32 $0x10, v18  }
0x1e1: {  	v20 =	vperm.xlane v6, v13;
	v10 =	vadd.s32 v10, v17;
	v13 =	vperm.xlane v7, v13;
	[tilespmem:s25+$0xFFFFFE30] =	vst v14  }
0x1e2: {  	v21 =	vperm.xlane v4, v10;
	v12 =	vadd.s32 v12, v18;
	v14 =	vshrl.u32 v9, $0x1B;
	[tilespmem:s25+$0xFFFFFEB0] =	vst v19  }
0x1e3: {  	v19 =	vshrl.u32 v15, $0x1B;
	[tilespmem:s25+$0xFFFFFFB0] =	vst v13;
	v13 =	vshrl.u32 v16, $0x1B;
	v22 =	vperm.xlane v6, v12  }
0x1e4: {  	[tilespmem:s25+$0xFFFFFF30] =	vst v20;
	v14 =	vand.u32 $0x10, v14;
	v18 =	vand.u32 $0x10, v19;
	v19 =	vperm.xlane v5, v10  }
0x1e5: {  	[tilespmem:s25+$0xFFFFFE40] =	vst v21;
	v13 =	vand.u32 $0x10, v13;
	v21 =	vshrl.u32 v11, $0x1B;
	v9 =	vadd.s32 v9, v14  }
0x1e6: {  	v14 =	vperm.xlane v6, v10;
	v10 =	vperm.xlane v7, v10;
	v15 =	vadd.s32 v15, v18;
	[tilespmem:s25+$0xFFFFFF50] =	vst v22  }
0x1e7: {  	v18 =	vand.u32 $0x10, v21;
	v21 =	vperm.xlane v5, v12;
	[tilespmem:s25+$0xFFFFFEC0] =	vst v19;
	v19 =	vperm.xlane v4, v12  }
0x1e8: {  	v17 =	vld [tilespmem:s31+$0x20];
	v13 =	vadd.s32 v16, v13;
	v12 =	vperm.xlane v7, v12;
	v16 =	vperm.xlane v4, v9;
	[tilespmem:s25+$0xFFFFFF40] =	vst v14  }
0x1e9: {  	v20 =	vld [tilespmem:s31+$0x30];
	v23 =	vperm.xlane v6, v9;
	v24 =	vperm.xlane v4, v15;
	[tilespmem:s25+$0xFFFFFFC0] =	vst v10  }
0x1ea: {  	v11 =	vadd.s32 v11, v18;
	v18 =	vperm.xlane v5, v15;
	v25 =	vperm.xlane v6, v15;
	[tilespmem:s25+$0xFFFFFED0] =	vst v21  }
0x1eb: {  	v15 =	vperm.xlane v7, v15;
	v32 =	vperm.xlane v5, v13;
	[tilespmem:s25+$0xFFFFFE50] =	vst v19  }
0x1ec: {  	v22 =	vld [tilespmem:s31+$0x50];
	v33 =	vperm.xlane v6, v13;
	v34 =	vperm.xlane v4, v11;
	[tilespmem:s25+$0xFFFFFFD0] =	vst v12  }
0x1ed: {  	v14 =	vshrl.u32 v17, $0x1B;
	v35 =	vperm.xlane v5, v11;
	v36 =	vperm.xlane v6, v11;
	[tilespmem:s25+$0xFFFFFE60] =	vst v16  }
0x1ee: {  	v37 =	vperm.xlane v7, v11;
	v14 =	vand.u32 $0x10, v14;
	v21 =	vshrl.u32 v20, $0x1B;
	[tilespmem:s25+$0xFFFFFF60] =	vst v23  }
0x1ef: {  	v10 =	vld [tilespmem:s31+$0x40];
	v19 =	vperm.xlane v5, v9;
	v9 =	vperm.xlane v7, v9;
	[tilespmem:s25+$0xFFFFFE70] =	vst v24;
	v12 =	vand.u32 $0x10, v21  }
0x1f0: {  	[tilespmem:s25+$0xFFFFFEF0] =	vst v18;
	v21 =	vperm.xlane v4, v13;
	v14 =	vadd.s32 v17, v14;
	v13 =	vperm.xlane v7, v13  }
0x1f1: {  	[tilespmem:s25+$0xFFFFFFE0] =	vst v9;
	v9 =	vshrl.u32 v22, $0x1B;
	v31 =	vperm.xlane v4, v14;
	v27 =	vperm.xlane v5, v14  }
0x1f2: {  	[tilespmem:s25+$0xFFFFFF70] =	vst v25;
	v17 =	vld [tilespmem:s31+$0x60];
	v11 =	vadd.s32 v20, v12;
	v28 =	vperm.xlane v6, v14;
	v29 =	vperm.xlane v7, v14  }
0x1f3: {  	[tilespmem:s25+$0xFFFFFFF0] =	vst v15;
	v9 =	vand.u32 $0x10, v9;
	v30 =	vperm.xlane v4, v11;
	v26 =	vperm.xlane v5, v11  }
0x1f4: {  	[tilespmem:s25+$0x80] =	vst v32;
	v25 =	vperm.xlane v6, v11;
	v16 =	vshrl.u32 v10, $0x1B;
	v9 =	vadd.s32 v22, v9  }
0x1f5: {  	[tilespmem:s25+$0xFFFFFEE0] =	vst v19;
	v24 =	vperm.xlane v7, v11;
	v16 =	vand.u32 $0x10, v16;
	v19 =	vperm.xlane v4, v9  }
0x1f6: {  	[tilespmem:s25+$0x100] =	vst v33;
	v18 =	vperm.xlane v5, v9;
	v10 =	vadd.s32 v10, v16;
	v16 =	vperm.xlane v7, v9  }
0x1f7: {  	[tilespmem:s25+$0x10] =	vst v34;
	v12 =	vshrl.u32 v17, $0x1B;
	v23 =	vperm.xlane v4, v10;
	v22 =	vperm.xlane v5, v10  }
0x1f8: {  	[tilespmem:s25+$0x0] =	vst v21;
	v21 =	vperm.xlane v6, v10;
	v11 =	vand.u32 $0x10, v12;
	v20 =	vperm.xlane v7, v10  }
0x1f9: {  	[tilespmem:s25+$0x90] =	vst v35;
	v10 =	vadd.s32 v17, v11;
	v17 =	vperm.xlane v6, v9;
	v11 =	vperm.xlane v4, v8  }
0x1fa: {  	[tilespmem:s25+$0x110] =	vst v36;
	v9 =	vperm.xlane v6, v8;
	v15 =	vperm.xlane v4, v10  }
0x1fb: {  	[tilespmem:s25+$0x180] =	vst v13;
	v14 =	vperm.xlane v5, v10;
	v13 =	vperm.xlane v6, v10  }
0x1fc: {  	s28 =	simm.s32 $0x0;
	s29 =	simm.s32 $0x2580;
	s26 =	simm.s32 $0x4600;
	[tilespmem:s25+$0x190] =	vst v37;
	v12 =	vperm.xlane v7, v10;
	v10 =	vperm.xlane v5, v8  }
.LBB2_8:
0x1fd: {  	v8 =	vld [tilespmem:s29+$0x70];
	s28 =	sadd.s32 $0x100, s28;
	[tilespmem:s25+$0x20] =	vst v31  }
0x1fe: {  	v31 =	vld [tilespmem:s29+$0xFFFFFF90];
	p0 =	slt.u32 s28, $0x1F00;
	[tilespmem:s25+$0xA0] =	vst v27  }
0x1ff: {  	v27 =	vld [tilespmem:s29+$0xFFFFFFA0];
	[tilespmem:s25+$0x120] =	vst v28  }
0x200: {  	v28 =	vld [tilespmem:s29+$0xFFFFFFB0];
	[tilespmem:s25+$0x1A0] =	vst v29  }
0x201: {  	v29 =	vld [tilespmem:s29+$0xFFFFFFC0];
	[tilespmem:s25+$0x30] =	vst v30  }
0x202: {  	v30 =	vld [tilespmem:s29+$0xFFFFFFD0];
	v32 =	vshrl.u32 v8, $0x1B;
	[tilespmem:s25+$0xB0] =	vst v26  }
0x203: {  	v26 =	vshrl.u32 v31, $0x1B;
	v33 =	vld [tilespmem:s29+$0xFFFFFFE0];
	v32 =	vand.u32 $0x10, v32;
	[tilespmem:s25+$0x130] =	vst v25  }
0x204: {  	v25 =	vand.u32 $0x10, v26;
	v26 =	vshrl.u32 v27, $0x1B;
	v34 =	vld [tilespmem:s29+$0xFFFFFFF0];
	v8 =	vadd.s32 v8, v32;
	[tilespmem:s25+$0x1B0] =	vst v24  }
0x205: {  	v24 =	vand.u32 $0x10, v26;
	v26 =	vshrl.u32 v28, $0x1B;
	v32 =	vld [tilespmem:s29+$0x0];
	v35 =	vperm.xlane v7, v8;
	[tilespmem:s25+$0x40] =	vst v23  }
0x206: {  	v23 =	vadd.s32 v31, v25;
	s25 =	sadd.s32 $0x400, s25;
	v25 =	vand.u32 $0x10, v26;
	v26 =	vshrl.u32 v29, $0x1B;
	v31 =	vld [tilespmem:s29+$0x10];
	[tilespmem:s26+$0xC0] =	vst v22  }
0x207: {  	v22 =	vadd.s32 v27, v24;
	v24 =	vand.u32 $0x10, v26;
	v26 =	vshrl.u32 v30, $0x1B;
	v27 =	vld [tilespmem:s29+$0x20];
	[tilespmem:s25+$0x1F0] =	vst v35  }
0x208: {  	v25 =	vadd.s32 v28, v25;
	v26 =	vand.u32 $0x10, v26;
	v28 =	vshrl.u32 v33, $0x1B;
	v35 =	vld [tilespmem:s29+$0x30];
	[tilespmem:s26+$0x140] =	vst v21  }
0x209: {  	v21 =	vadd.s32 v29, v24;
	v24 =	vand.u32 $0x10, v28;
	v28 =	vshrl.u32 v34, $0x1B;
	v29 =	vld [tilespmem:s29+$0x40];
	[tilespmem:s26+$0x1C0] =	vst v20  }
0x20a: {  	v20 =	vadd.s32 v30, v26;
	v26 =	vand.u32 $0x10, v28;
	v28 =	vshrl.u32 v32, $0x1B;
	v30 =	vld [tilespmem:s29+$0x50];
	[tilespmem:s26+$0x50] =	vst v19  }
0x20b: {  	v19 =	vadd.s32 v33, v24;
	v24 =	vand.u32 $0x10, v28;
	v28 =	vshrl.u32 v31, $0x1B;
	v33 =	vld [tilespmem:s29+$0x60];
	[tilespmem:s26+$0xD0] =	vst v18  }
0x20c: {  	v26 =	vadd.s32 v34, v26;
	v18 =	vld [tilespmem:s29+$0xFFFFFF80];
	v28 =	vand.u32 $0x10, v28;
	v34 =	vshrl.u32 v27, $0x1B;
	[tilespmem:s26+$0x150] =	vst v17  }
0x20d: {  	v17 =	vadd.s32 v32, v24;
	v24 =	vand.u32 $0x10, v34;
	v32 =	vshrl.u32 v35, $0x1B;
	[tilespmem:s26+$0x1D0] =	vst v16  }
0x20e: {  	v16 =	vadd.s32 v31, v28;
	v28 =	vand.u32 $0x10, v32;
	v31 =	vshrl.u32 v29, $0x1B;
	[tilespmem:s26+$0x60] =	vst v15  }
0x20f: {  	v15 =	vadd.s32 v27, v24;
	v24 =	vand.u32 $0x10, v31;
	v27 =	vshrl.u32 v30, $0x1B;
	[tilespmem:s26+$0xE0] =	vst v14  }
0x210: {  	v14 =	vadd.s32 v35, v28;
	v27 =	vand.u32 $0x10, v27;
	v28 =	vshrl.u32 v33, $0x1B;
	[tilespmem:s26+$0x160] =	vst v13  }
0x211: {  	v32 =	vadd.s32 v29, v24;
	v13 =	vshrl.u32 v18, $0x1B;
	v24 =	vand.u32 $0x10, v28;
	[tilespmem:s26+$0x1E0] =	vst v12  }
0x212: {  	v12 =	vand.u32 $0x10, v13;
	v13 =	vadd.s32 v30, v27;
	v33 =	vadd.s32 v33, v24;
	[tilespmem:s26+$0x70] =	vst v11  }
0x213: {  	v11 =	vadd.s32 v18, v12;
	v12 =	vperm.xlane v4, v23;
	v18 =	vperm.xlane v5, v23;
	[tilespmem:s26+$0xF0] =	vst v10  }
0x214: {  	v10 =	vperm.xlane v4, v11;
	v24 =	vperm.xlane v5, v11;
	[tilespmem:s26+$0x170] =	vst v9;
	s26 =	smov.u32 s25  }
0x215: {  	v9 =	vperm.xlane v6, v11;
	v11 =	vperm.xlane v7, v11;
	[tilespmem:s25+$0xFFFFFE10] =	vst v12  }
0x216: {  	v12 =	vperm.xlane v7, v23;
	[tilespmem:s25+$0xFFFFFE00] =	vst v10;
	v10 =	vperm.xlane v6, v23  }
0x217: {  	v23 =	vperm.xlane v4, v22;
	[tilespmem:s25+$0xFFFFFE80] =	vst v24;
	v24 =	vperm.xlane v5, v22  }
0x218: {  	[tilespmem:s25+$0xFFFFFF00] =	vst v9;
	v9 =	vperm.xlane v6, v22;
	v22 =	vperm.xlane v7, v22  }
0x219: {  	v27 =	vperm.xlane v5, v25;
	[tilespmem:s25+$0xFFFFFF80] =	vst v11;
	v11 =	vperm.xlane v4, v25  }
0x21a: {  	[tilespmem:s25+$0xFFFFFE90] =	vst v18;
	v18 =	vperm.xlane v6, v25;
	v25 =	vperm.xlane v7, v25  }
0x21b: {  	v28 =	vperm.xlane v5, v21;
	[tilespmem:s25+$0xFFFFFF10] =	vst v10;
	v10 =	vperm.xlane v4, v21  }
0x21c: {  	[tilespmem:s25+$0xFFFFFF90] =	vst v12;
	v12 =	vperm.xlane v6, v21;
	v21 =	vperm.xlane v7, v21  }
0x21d: {  	v34 =	vperm.xlane v5, v20;
	[tilespmem:s25+$0xFFFFFE20] =	vst v23;
	v23 =	vperm.xlane v4, v20  }
0x21e: {  	v35 =	vperm.xlane v6, v20;
	v20 =	vperm.xlane v7, v20;
	[tilespmem:s25+$0xFFFFFEA0] =	vst v24  }
0x21f: {  	v36 =	vperm.xlane v5, v19;
	[tilespmem:s25+$0xFFFFFF20] =	vst v9;
	v9 =	vperm.xlane v4, v19  }
0x220: {  	v37 =	vperm.xlane v6, v19;
	v38 =	vperm.xlane v7, v19;
	[tilespmem:s25+$0xFFFFFFA0] =	vst v22  }
0x221: {  	v39 =	vperm.xlane v5, v26;
	[tilespmem:s25+$0xFFFFFE30] =	vst v11;
	v11 =	vperm.xlane v4, v26  }
0x222: {  	v40 =	vperm.xlane v6, v26;
	v41 =	vperm.xlane v7, v26;
	[tilespmem:s25+$0xFFFFFEB0] =	vst v27  }
0x223: {  	v42 =	vperm.xlane v4, v17;
	v43 =	vperm.xlane v5, v17;
	[tilespmem:s25+$0xFFFFFF30] =	vst v18  }
0x224: {  	v44 =	vperm.xlane v6, v17;
	v45 =	vperm.xlane v7, v17;
	[tilespmem:s25+$0xFFFFFFB0] =	vst v25  }
0x225: {  	v46 =	vperm.xlane v4, v16;
	v47 =	vperm.xlane v5, v16;
	[tilespmem:s25+$0xFFFFFE40] =	vst v10  }
0x226: {  	v48 =	vperm.xlane v6, v16;
	v49 =	vperm.xlane v7, v16;
	[tilespmem:s25+$0xFFFFFEC0] =	vst v28  }
0x227: {  	v31 =	vperm.xlane v4, v15;
	v27 =	vperm.xlane v5, v15;
	[tilespmem:s25+$0xFFFFFF40] =	vst v12  }
0x228: {  	v29 =	vperm.xlane v7, v15;
	v28 =	vperm.xlane v6, v15;
	[tilespmem:s25+$0xFFFFFFC0] =	vst v21  }
0x229: {  	v30 =	vperm.xlane v4, v14;
	v26 =	vperm.xlane v5, v14;
	[tilespmem:s25+$0xFFFFFE50] =	vst v23  }
0x22a: {  	v24 =	vperm.xlane v7, v14;
	v25 =	vperm.xlane v6, v14;
	[tilespmem:s25+$0xFFFFFED0] =	vst v34  }
0x22b: {  	v22 =	vperm.xlane v5, v32;
	v23 =	vperm.xlane v4, v32;
	[tilespmem:s25+$0xFFFFFF50] =	vst v35  }
0x22c: {  	v21 =	vperm.xlane v6, v32;
	[tilespmem:s25+$0xFFFFFFD0] =	vst v20;
	v20 =	vperm.xlane v7, v32  }
0x22d: {  	v19 =	vperm.xlane v4, v13;
	v18 =	vperm.xlane v5, v13;
	[tilespmem:s25+$0xFFFFFE60] =	vst v9  }
0x22e: {  	v17 =	vperm.xlane v6, v13;
	v16 =	vperm.xlane v7, v13;
	[tilespmem:s25+$0xFFFFFEE0] =	vst v36  }
0x22f: {  	v14 =	vperm.xlane v5, v33;
	v15 =	vperm.xlane v4, v33;
	[tilespmem:s25+$0xFFFFFF60] =	vst v37  }
0x230: {  	v13 =	vperm.xlane v6, v33;
	v12 =	vperm.xlane v7, v33;
	[tilespmem:s25+$0xFFFFFFE0] =	vst v38  }
0x231: {  	v10 =	vperm.xlane v5, v8;
	[tilespmem:s25+$0xFFFFFE70] =	vst v11;
	v11 =	vperm.xlane v4, v8  }
0x232: {  	v9 =	vperm.xlane v6, v8;
	[tilespmem:s25+$0xFFFFFEF0] =	vst v39  }
0x233: {  	[tilespmem:s25+$0xFFFFFF70] =	vst v40  }
0x234: {  	[tilespmem:s25+$0xFFFFFFF0] =	vst v41  }
0x235: {  	[tilespmem:s25+$0x0] =	vst v42  }
0x236: {  	[tilespmem:s25+$0x80] =	vst v43  }
0x237: {  	[tilespmem:s25+$0x100] =	vst v44  }
.Ltmp3:
0x238: {  	[tilespmem:s25+$0x180] =	vst v45;
	(pc) =	sbr.rel @p0 .LBB2_8-.Ltmp3, $4  }
0x239: {  	[tilespmem:s25+$0x10] =	vst v46  }
0x23a: {  	[tilespmem:s25+$0x90] =	vst v47  }
0x23b: {  	[tilespmem:s25+$0x110] =	vst v48  }
0x23c: {  	s29 =	sadd.s32 $0x100, s29;
	[tilespmem:s25+$0x190] =	vst v49  }
0x23d: {  	[tilespmem:s25+$0x20] =	vst v31  }
0x23e: {  	[tilespmem:s25+$0xA0] =	vst v27  }
0x23f: {  	[tilespmem:s25+$0x120] =	vst v28  }
0x240: {  	[tilespmem:s25+$0x1A0] =	vst v29  }
0x241: {  	[tilespmem:s25+$0x30] =	vst v30  }
0x242: {  	[tilespmem:s25+$0xB0] =	vst v26  }
0x243: {  	[tilespmem:s25+$0x130] =	vst v25  }
0x244: {  	[tilespmem:s25+$0x1B0] =	vst v24  }
0x245: {  	[tilespmem:s25+$0x40] =	vst v23  }
0x246: {  	[tilespmem:s26+$0x50] =	vst v19  }
0x247: {  	[tilespmem:s26+$0xD0] =	vst v18  }
0x248: {  	[tilespmem:s26+$0x150] =	vst v17  }
0x249: {  	[tilespmem:s26+$0x1D0] =	vst v16  }
0x24a: {  	[tilespmem:s26+$0x60] =	vst v15  }
0x24b: {  	[tilespmem:s26+$0xE0] =	vst v14  }
0x24c: {  	[tilespmem:s26+$0x160] =	vst v13  }
0x24d: {  	[tilespmem:s26+$0x1E0] =	vst v12  }
0x24e: {  	[tilespmem:s26+$0x70] =	vst v11  }
0x24f: {  	[tilespmem:s26+$0xF0] =	vst v10  }
0x250: {  	[tilespmem:s26+$0x170] =	vst v9  }
0x251: {  	[tilespmem:s26+$0xC0] =	vst v22  }
0x252: {  	[tilespmem:s26+$0x140] =	vst v21  }
0x253: {  	[tilespmem:s26+$0x1C0] =	vst v20  }
0x254: {  	[hbm4b:s11+s2] =	stream.linear.scatter [tilespmem:s17], [sflag:$0x3], $0x8000, $0x38;
	[tilespmem:$0x1C400] =	vst v63  }
0x255: {  	_ =	swait.ge [sflag:s22], $0x8000  }
0x256: {  	[sflag:s22] =	ssyncset.done $0x0  }
0x257: {  	s24 =	sadd.s32 $0x1, s24;
	[sflag:s22] =	ssyncadd.s32 $0xFFFF8000  }
0x258: {  	p0 =	sne.s32 s24, s12;
	_ =	swait.ge [sflag:s23], $0x8000  }
.Ltmp4:
0x259: {  	[sflag:s23] =	ssyncset.done $0x0;
	(pc) =	sbr.rel @p0 .LBB2_1-.Ltmp4, $4  }
0x25a: {  	[sflag:s23] =	ssyncadd.s32 $0xFFFF8000  }
0x25b: {  	_ =	swait.ge [sflag:s21], $0x8000  }
0x25c: {  	[sflag:s21] =	ssyncset.done $0x0  }
0x25d: {  	[sflag:s21] =	ssyncadd.s32 $0xFFFF8000  }
0x25e: {  	_ =	sfence.sel $0x180000  }
0x25f: {  	[bflag:$0x0] =	sbarrier.arrive $0xFFFF  }
0x260: {  	p0 =	sne.s32 s1, $0x0;
	_ =	strace $0x90000047  }
0x261: {  	s0 =	sadd.s32 @!p0 $0x100000, s0;
	[bflag:$0x2] =	sbarrier.arrive $0xFFFF  }
0x262: {  	[sflag:s0] =	ssyncadd.tile.s32 @!p0 $0x1;
	_ =	shalt  }
.Lfunc_end2:
_tile_overlayer_lowered:
.L_overlay_start_2:
0x263: {  	(tag) =	ssettag $0x2  }
0x264: {  	s0 =	rddreg [dreg:$0x0];
	s2 =	stileid.u32  }
0x265: {  	s1 =	rddreg [dreg:$0x1];
	p0 =	sne.s32 s2, $0x0  }
0x266: {  	s3 =	rddreg [dreg:$0x2];
	[bflag:$0x3] =	sbarrier.arrive $0xFFFF;
	s2 =	simm.s32 @!p0 $0x1C06  }
0x267: {  	[timem:s3], [sflag:s2] =	dma.local @!p0 [hbm:s0], s1  }
0x268: {  	s0 =	simm.s32 @!p0 $0x6  }
0x269: {  	_ =	swait.ge @!p0 [sflag:s0], s1  }
0x26a: {  	s1 =	ssub.s32 @!p0 $0x0, s1;
	[sflag:s0] =	ssyncset.done @!p0 $0x0  }
0x26b: {  	[sflag:s0] =	ssyncadd.s32 @!p0 s1  }
0x26c: {  	[bflag:$0x3] =	sbarrier.arrive $0xFFFF  }
0x26d: {  	_ =	shalt  }

</sc_bundles>
